<compile_context>
chip_gen: v7x
topology: tpu7x:2x2x1
jax: 0.10.2.dev20260603
libtpu: 0.0.44.dev20260713+nightly
codegen_flags: <defaults>
</compile_context>

<pallas_src>
import functools
import jax
import jax.numpy as jnp
from jax import lax
from jax.experimental import pallas as pl
from jax.experimental.pallas import tpu as pltpu
from jax.experimental.pallas import tpu_sc as plsc

B = 16384
OBS = 128
GENC = 64
HID = 128
SKILL = 64
NF = 8
NSEG = NF + 1
INP = GENC + OBS + OBS

BM = 256
NW = 32
CH = 128
B_PAD = 20480
NBLK = B_PAD // BM
RPW = B_PAD // NW
NCH = RPW // CH
RPW_O = B // NW
NCH_O = RPW_O // CH

@functools.lru_cache(maxsize=1)
def _sc_kernels():
    mesh = plsc.VectorSubcoreMesh(core_axis_name="c", subcore_axis_name="s")

    @functools.partial(
        pl.kernel, mesh=mesh,
        out_type=[jax.ShapeDtypeStruct((B_PAD, OBS), jnp.float32),
                  jax.ShapeDtypeStruct((B_PAD, OBS), jnp.float32),
                  jax.ShapeDtypeStruct((B_PAD, OBS), jnp.float32)],
        scratch_types=[pltpu.VMEM((NCH_O, CH), jnp.int32),
                       pltpu.VMEM((RPW_O, OBS), jnp.float32),
                       pltpu.SemaphoreType.DMA],
    )
    def sc_scatter_in(invp_hbm, g_hbm, s_hbm, n_hbm, og_hbm, os_hbm, on_hbm,
                      idx_v, buf, wsem):
        wid = lax.axis_index("s") * 2 + lax.axis_index("c")
        base = wid * RPW_O
        pltpu.sync_copy(invp_hbm.at[wid], idx_v)
        for src, dst in ((g_hbm, og_hbm), (s_hbm, os_hbm), (n_hbm, on_hbm)):
            pltpu.sync_copy(src.at[pl.ds(base, RPW_O)], buf)
            cps = [pltpu.async_copy(buf.at[pl.ds(c * CH, CH)],
                                    dst.at[idx_v.at[c]], wsem)
                   for c in range(NCH_O)]
            for cp in cps:
                cp.wait()

    @functools.partial(
        pl.kernel, mesh=mesh,
        out_type=jax.ShapeDtypeStruct((B, OBS), jnp.float32),
        scratch_types=[pltpu.VMEM((NCH_O, CH), jnp.int32),
                       pltpu.VMEM((RPW_O, OBS), jnp.float32),
                       pltpu.SemaphoreType.DMA],
    )
    def sc_gather_out(invp_hbm, rows_hbm, out_hbm, idx_v, buf, sem):
        wid = lax.axis_index("s") * 2 + lax.axis_index("c")
        base = wid * RPW_O
        pltpu.sync_copy(invp_hbm.at[wid], idx_v)
        cps = [pltpu.async_copy(rows_hbm.at[idx_v.at[c]],
                                buf.at[pl.ds(c * CH, CH)], sem)
               for c in range(NCH_O)]
        for cp in cps:
            cp.wait()
        pltpu.sync_copy(buf, out_hbm.at[pl.ds(base, RPW_O)])

    return sc_scatter_in, sc_gather_out


def _mlp_block(be_ref, g_ref, s_ref, n_ref, W1g_ref, W1s_ref, W1n_ref,
               b1_ref, W2_ref, b2_ref, W3_ref, b3_ref, out_ref):
    e = be_ref[pl.program_id(0)]
    g = g_ref[...].astype(jnp.bfloat16)
    s = s_ref[...].astype(jnp.bfloat16)
    n = n_ref[...].astype(jnp.bfloat16)
    acc = (jnp.dot(g, W1g_ref[e], preferred_element_type=jnp.float32)
           + jnp.dot(s, W1s_ref[e], preferred_element_type=jnp.float32)
           + jnp.dot(n, W1n_ref[e], preferred_element_type=jnp.float32)
           + b1_ref[e])
    h = jnp.maximum(acc, 0.0).astype(jnp.bfloat16)
    acc = jnp.dot(h, W2_ref[e], preferred_element_type=jnp.float32) + b2_ref[e]
    h = jnp.maximum(acc, 0.0).astype(jnp.bfloat16)
    out_ref[...] = jnp.dot(h, W3_ref[e],
                           preferred_element_type=jnp.float32) + b3_ref[e]


def _mlp_grouped(block_expert, xg, xs, xn, W1g, W1s, W1n, b1, W2, b2, W3, b3):
    row = lambda w: pl.BlockSpec((BM, w), lambda i, be: (i, 0))
    full = lambda shape: pl.BlockSpec(shape, lambda i, be: tuple(0 for _ in shape))
    return pl.pallas_call(
        _mlp_block,
        grid_spec=pltpu.PrefetchScalarGridSpec(
            num_scalar_prefetch=1,
            grid=(NBLK,),
            in_specs=[
                row(OBS), row(OBS), row(OBS),
                full((NSEG, OBS, HID)), full((NSEG, OBS, HID)),
                full((NSEG, OBS, HID)), full((NSEG, HID)),
                full((NSEG, HID, HID)), full((NSEG, HID)),
                full((NSEG, HID, OBS)), full((NSEG, OBS)),
            ],
            out_specs=row(OBS),
        ),
        out_shape=jax.ShapeDtypeStruct((B_PAD, OBS), jnp.float32),
    )(block_expert, xg, xs, xn, W1g, W1s, W1n, b1, W2, b2, W3, b3)


def kernel(graph, state, next_state, W1, b1, W2, b2, W3, b3):
    gb = graph[:, :NF] == 1.0
    anyb = jnp.any(gb, axis=1)
    e = jnp.where(anyb, NF - 1 - jnp.argmax(gb[:, ::-1], axis=1), NF)
    e = e.astype(jnp.int32)
    onehot = (e[None, :] == jnp.arange(NSEG, dtype=jnp.int32)[:, None])
    csum = jnp.cumsum(onehot.astype(jnp.int32), axis=1)
    counts = csum[:, -1]
    padded = ((counts + BM - 1) // BM) * BM
    seg_start = jnp.concatenate(
        [jnp.zeros((1,), jnp.int32), jnp.cumsum(padded)]).astype(jnp.int32)
    rank = jnp.take_along_axis(csum, e[None, :], axis=0)[0] - 1
    inv_perm = seg_start[e] + rank
    block_expert = jnp.sum(
        (jnp.arange(NBLK, dtype=jnp.int32)[:, None] * BM
         >= seg_start[None, 1:]).astype(jnp.int32), axis=1)
    block_expert = jnp.minimum(block_expert, NF)

    zpad = lambda w: jnp.concatenate(
        [w, jnp.zeros((1,) + w.shape[1:], w.dtype)], axis=0)
    W1p = zpad(W1).astype(jnp.bfloat16)
    W1g_ = jnp.concatenate(
        [W1p[:, :GENC], jnp.zeros((NSEG, OBS - GENC, HID), jnp.bfloat16)], 1)
    W1s_, W1n_ = W1p[:, GENC:GENC + OBS], W1p[:, GENC + OBS:]
    W2p = zpad(W2).astype(jnp.bfloat16)
    W3p = jnp.concatenate(
        [zpad(W3).astype(jnp.bfloat16),
         jnp.zeros((NSEG, HID, OBS - SKILL), jnp.bfloat16)], 2)
    b1p, b2p = zpad(b1), zpad(b2)
    b3p = jnp.concatenate(
        [zpad(b3), jnp.zeros((NSEG, OBS - SKILL), jnp.float32)], 1)
    gpad = jnp.concatenate(
        [graph, jnp.zeros((B, OBS - GENC), jnp.float32)], 1)

    sc_scatter_in, sc_gather_out = _sc_kernels()
    invp = inv_perm.reshape(NW, NCH_O, CH)
    xg, xs, xn = sc_scatter_in(invp, gpad, state, next_state)
    rows = _mlp_grouped(block_expert, xg, xs, xn,
                        W1g_, W1s_, W1n_, b1p, W2p, b2p, W3p, b3p)
    return sc_gather_out(invp, rows)[:, :SKILL]

# --- scband reference (transcript-rebuilt; emitter-appended) ---
"""Pipeline reference for scband-diayn-discriminator-2903397892905 (READ-ONLY COPY).

The authoritative reference and input builder live on the scoring server;
editing this copy changes nothing except your own understanding.
"""

import jax, jax.numpy as jnp
import numpy as np

B = 16384
OBS = 128
GENC = 64
HID = 128
SKILL = 64
NF = 8
INP = GENC + OBS + OBS  # use_state=True: concat(graph, state, next_state)


def setup_inputs(seed: int = 0) -> dict:
    key = jax.random.key(seed)
    ks = jax.random.split(key, 10)
    graph = jax.random.randint(ks[0], (B, GENC), 0, 2).astype(jnp.float32)
    state = jax.random.normal(ks[1], (B, OBS), dtype=jnp.float32)
    next_state = jax.random.normal(ks[2], (B, OBS), dtype=jnp.float32)
    # Stacked per-expert MLP params (num_factors experts), Kaiming-ish scale
    W1 = jax.random.normal(ks[3], (NF, INP, HID), dtype=jnp.float32) * (1.0 / np.sqrt(INP))
    b1 = jnp.zeros((NF, HID), dtype=jnp.float32)
    W2 = jax.random.normal(ks[4], (NF, HID, HID), dtype=jnp.float32) * (1.0 / np.sqrt(HID))
    b2 = jnp.zeros((NF, HID), dtype=jnp.float32)
    W3 = jax.random.normal(ks[5], (NF, HID, SKILL), dtype=jnp.float32) * (1.0 / np.sqrt(HID))
    b3 = jnp.zeros((NF, SKILL), dtype=jnp.float32)
    return {"graph": graph, "state": state, "next_state": next_state,
            "W1": W1, "b1": b1, "W2": W2, "b2": b2, "W3": W3, "b3": b3}


def reference(graph, state, next_state, W1, b1, W2, b2, W3, b3):
    # use_state=True branch: input = concat([graph, state, next_state], -1)
    inp = jnp.concatenate([graph, state, next_state], axis=-1)
    skill_pred = jnp.zeros((inp.shape[0], SKILL), dtype=inp.dtype)
    # wide_diayn routing: rows with graph[:, i] == 1 are sent to expert i.
    # Torch does skill_pred[idices] = net_i(filtered); sequential overwrite
    # semantics are reproduced with jnp.where applied in expert order.
    for i in range(NF):
        h = jnp.maximum(inp @ W1[i] + b1[i], 0.0)
        h = jnp.maximum(h @ W2[i] + b2[i], 0.0)
        o = h @ W3[i] + b3[i]
        mask = (graph[:, i] == 1.0)[:, None]
        skill_pred = jnp.where(mask, o, skill_pred)
    return skill_pred

if __name__ == "__main__":
    import jax
    _d = setup_inputs()
    print(jax.jit(kernel)(*tuple(_d.values())))

</pallas_src>

<mosaic_0001>
#map = affine_map<(d0, d1) -> (0, 0, 0)>
#map1 = affine_map<(d0, d1) -> (0, 0)>
module attributes {stable_mosaic.version = 14 : i64} {
  func.func @sc_scatter_in(%arg0: i32, %arg1: i32, %arg2: memref<32x4x128xi32, #tpu.memory_space<hbm>>, %arg3: memref<16384x128xf32, #tpu.memory_space<hbm>>, %arg4: memref<16384x128xf32, #tpu.memory_space<hbm>>, %arg5: memref<16384x128xf32, #tpu.memory_space<hbm>>, %arg6: memref<20480x128xf32, #tpu.memory_space<hbm>>, %arg7: memref<20480x128xf32, #tpu.memory_space<hbm>>, %arg8: memref<20480x128xf32, #tpu.memory_space<hbm>>, %arg9: memref<4x128xi32, #tpu.memory_space<vmem>>, %arg10: memref<512x128xf32, #tpu.memory_space<vmem>>, %arg11: memref<!tpu.dma_semaphore, #tpu.memory_space<semaphore_mem>>) attributes {dimension_semantics = [#tpu.dimension_semantics<core_parallel>, #tpu.dimension_semantics<subcore_parallel>], iteration_bounds = array<i64: 2, 16>, scalar_prefetch = 0 : i64, scratch_operands = 3 : i64, tpu.core_type = #tpu.core_type<sc_vector_subcore>, window_params = [{transform_indices = #map}, {transform_indices = #map1}, {transform_indices = #map1}, {transform_indices = #map1}, {transform_indices = #map1}, {transform_indices = #map1}, {transform_indices = #map1}]} {
    %mul3A = arith.constant 2 : i32
    %mul3A_0 = arith.muli %arg1, %mul3A : i32
    %add3A = arith.addi %mul3A_0, %arg0 : i32
    %mul3A_1 = arith.constant 512 : i32
    %mul3A_2 = arith.muli %add3A, %mul3A_1 : i32
    "tpu.region"() ({
      %run_scoped3A = tpu.sem_alloc : memref<!tpu.dma_semaphore, #tpu.memory_space<semaphore_mem>>
      %dma_start3A_241 = arith.constant 0 : i32
      %dma_start3A_242 = arith.constant 0 : i32
      %dma_start3A_243 = tpu.memref_slice %arg2[%add3A, %dma_start3A_241, %dma_start3A_242] : memref<32x4x128xi32, #tpu.memory_space<hbm>> -> memref<1x4x128xi32, #tpu.memory_space<hbm>>
      %dma_start3A_244 = tpu.memref_squeeze %dma_start3A_243 : memref<1x4x128xi32, #tpu.memory_space<hbm>> -> memref<4x128xi32, #tpu.memory_space<hbm>>
      %dma_start3A_245 = arith.constant 0 : i32
      %dma_start3A_246 = arith.constant 0 : i32
      %dma_start3A_247 = tpu.memref_slice %arg2[%add3A, %dma_start3A_245, %dma_start3A_246] : memref<32x4x128xi32, #tpu.memory_space<hbm>> -> memref<1x4x128xi32, #tpu.memory_space<hbm>>
      %dma_start3A_248 = tpu.memref_squeeze %dma_start3A_247 : memref<1x4x128xi32, #tpu.memory_space<hbm>> -> memref<4x128xi32, #tpu.memory_space<hbm>>
      tpu.enqueue_dma source(%dma_start3A_248 : memref<4x128xi32, #tpu.memory_space<hbm>>) target(%arg9 : memref<4x128xi32, #tpu.memory_space<vmem>>) target_semaphore(%run_scoped3A : memref<!tpu.dma_semaphore, #tpu.memory_space<semaphore_mem>>)
      %dma_wait3A_249 = arith.constant 0 : i32
      %dma_wait3A_250 = arith.constant 0 : i32
      %dma_wait3A_251 = tpu.memref_slice %arg2[%add3A, %dma_wait3A_249, %dma_wait3A_250] : memref<32x4x128xi32, #tpu.memory_space<hbm>> -> memref<1x4x128xi32, #tpu.memory_space<hbm>>
      %dma_wait3A_252 = tpu.memref_squeeze %dma_wait3A_251 : memref<1x4x128xi32, #tpu.memory_space<hbm>> -> memref<4x128xi32, #tpu.memory_space<hbm>>
      %dma_wait3A_253 = arith.constant 0 : i32
      %dma_wait3A_254 = arith.constant 0 : i32
      %dma_wait3A_255 = tpu.memref_slice %arg2[%add3A, %dma_wait3A_253, %dma_wait3A_254] : memref<32x4x128xi32, #tpu.memory_space<hbm>> -> memref<1x4x128xi32, #tpu.memory_space<hbm>>
      %dma_wait3A_256 = tpu.memref_squeeze %dma_wait3A_255 : memref<1x4x128xi32, #tpu.memory_space<hbm>> -> memref<4x128xi32, #tpu.memory_space<hbm>>
      tpu.wait_dma2 semaphore(%run_scoped3A : memref<!tpu.dma_semaphore, #tpu.memory_space<semaphore_mem>>) src(%dma_wait3A_256 : memref<4x128xi32, #tpu.memory_space<hbm>>) dst(%arg9 : memref<4x128xi32, #tpu.memory_space<vmem>>)
      tpu.yield
    }) : () -> ()
    "tpu.region"() ({
      %run_scoped3A = tpu.sem_alloc : memref<!tpu.dma_semaphore, #tpu.memory_space<semaphore_mem>>
      %dma_start3A_241 = arith.constant 0 : i32
      %dma_start3A_242 = tpu.memref_slice %arg3[%mul3A_2, %dma_start3A_241] : memref<16384x128xf32, #tpu.memory_space<hbm>> -> memref<512x128xf32, #tpu.memory_space<hbm>>
      %dma_start3A_243 = arith.constant 0 : i32
      %dma_start3A_244 = tpu.memref_slice %arg3[%mul3A_2, %dma_start3A_243] : memref<16384x128xf32, #tpu.memory_space<hbm>> -> memref<512x128xf32, #tpu.memory_space<hbm>>
      tpu.enqueue_dma source(%dma_start3A_244 : memref<512x128xf32, #tpu.memory_space<hbm>>) target(%arg10 : memref<512x128xf32, #tpu.memory_space<vmem>>) target_semaphore(%run_scoped3A : memref<!tpu.dma_semaphore, #tpu.memory_space<semaphore_mem>>)
      %dma_wait3A_245 = arith.constant 0 : i32
      %dma_wait3A_246 = tpu.memref_slice %arg3[%mul3A_2, %dma_wait3A_245] : memref<16384x128xf32, #tpu.memory_space<hbm>> -> memref<512x128xf32, #tpu.memory_space<hbm>>
      %dma_wait3A_247 = arith.constant 0 : i32
      %dma_wait3A_248 = tpu.memref_slice %arg3[%mul3A_2, %dma_wait3A_247] : memref<16384x128xf32, #tpu.memory_space<hbm>> -> memref<512x128xf32, #tpu.memory_space<hbm>>
      tpu.wait_dma2 semaphore(%run_scoped3A : memref<!tpu.dma_semaphore, #tpu.memory_space<semaphore_mem>>) src(%dma_wait3A_248 : memref<512x128xf32, #tpu.memory_space<hbm>>) dst(%arg10 : memref<512x128xf32, #tpu.memory_space<vmem>>)
      tpu.yield
    }) : () -> ()
    %dma_start3A = arith.constant 0 : i32
    %dma_start3A_3 = arith.constant 0 : i32
    %dma_start3A_4 = arith.constant 0 : i32
    %dma_start3A_5 = tpu.memref_slice %arg10[%dma_start3A_3, %dma_start3A_4] : memref<512x128xf32, #tpu.memory_space<vmem>> -> memref<128x128xf32, #tpu.memory_space<vmem>>
    %dma_start3A_6 = arith.constant 0 : i32
    %dma_start3A_7 = tpu.memref_slice %arg9[%dma_start3A, %dma_start3A_6] : memref<4x128xi32, #tpu.memory_space<vmem>> -> memref<1x128xi32, #tpu.memory_space<vmem>>
    %dma_start3A_8 = tpu.memref_squeeze %dma_start3A_7 : memref<1x128xi32, #tpu.memory_space<vmem>> -> memref<128xi32, #tpu.memory_space<vmem>>
    %dma_start3A_9 = arith.constant 0 : i32
    %dma_start3A_10 = arith.constant 0 : i32
    %dma_start3A_11 = tpu.memref_slice %arg6[%dma_start3A_9, %dma_start3A_10] : memref<20480x128xf32, #tpu.memory_space<hbm>> -> memref<20480x128xf32, #tpu.memory_space<hbm>>
    tpu.enqueue_indirect_dma source(%dma_start3A_5 : memref<128x128xf32, #tpu.memory_space<vmem>>) target(%dma_start3A_11 : memref<20480x128xf32, #tpu.memory_space<hbm>>) offsets(%dma_start3A_8 : memref<128xi32, #tpu.memory_space<vmem>>) semaphore(%arg11 : memref<!tpu.dma_semaphore, #tpu.memory_space<semaphore_mem>>)
    %dma_start3A_12 = arith.constant 1 : i32
    %dma_start3A_13 = arith.constant 128 : i32
    %dma_start3A_14 = arith.constant 0 : i32
    %dma_start3A_15 = tpu.memref_slice %arg10[%dma_start3A_13, %dma_start3A_14] : memref<512x128xf32, #tpu.memory_space<vmem>> -> memref<128x128xf32, #tpu.memory_space<vmem>>
    %dma_start3A_16 = arith.constant 0 : i32
    %dma_start3A_17 = tpu.memref_slice %arg9[%dma_start3A_12, %dma_start3A_16] : memref<4x128xi32, #tpu.memory_space<vmem>> -> memref<1x128xi32, #tpu.memory_space<vmem>>
    %dma_start3A_18 = tpu.memref_squeeze %dma_start3A_17 : memref<1x128xi32, #tpu.memory_space<vmem>> -> memref<128xi32, #tpu.memory_space<vmem>>
    %dma_start3A_19 = arith.constant 0 : i32
    %dma_start3A_20 = arith.constant 0 : i32
    %dma_start3A_21 = tpu.memref_slice %arg6[%dma_start3A_19, %dma_start3A_20] : memref<20480x128xf32, #tpu.memory_space<hbm>> -> memref<20480x128xf32, #tpu.memory_space<hbm>>
    tpu.enqueue_indirect_dma source(%dma_start3A_15 : memref<128x128xf32, #tpu.memory_space<vmem>>) target(%dma_start3A_21 : memref<20480x128xf32, #tpu.memory_space<hbm>>) offsets(%dma_start3A_18 : memref<128xi32, #tpu.memory_space<vmem>>) semaphore(%arg11 : memref<!tpu.dma_semaphore, #tpu.memory_space<semaphore_mem>>)
    %dma_start3A_22 = arith.constant 2 : i32
    %dma_start3A_23 = arith.constant 256 : i32
    %dma_start3A_24 = arith.constant 0 : i32
    %dma_start3A_25 = tpu.memref_slice %arg10[%dma_start3A_23, %dma_start3A_24] : memref<512x128xf32, #tpu.memory_space<vmem>> -> memref<128x128xf32, #tpu.memory_space<vmem>>
    %dma_start3A_26 = arith.constant 0 : i32
    %dma_start3A_27 = tpu.memref_slice %arg9[%dma_start3A_22, %dma_start3A_26] : memref<4x128xi32, #tpu.memory_space<vmem>> -> memref<1x128xi32, #tpu.memory_space<vmem>>
    %dma_start3A_28 = tpu.memref_squeeze %dma_start3A_27 : memref<1x128xi32, #tpu.memory_space<vmem>> -> memref<128xi32, #tpu.memory_space<vmem>>
    %dma_start3A_29 = arith.constant 0 : i32
    %dma_start3A_30 = arith.constant 0 : i32
    %dma_start3A_31 = tpu.memref_slice %arg6[%dma_start3A_29, %dma_start3A_30] : memref<20480x128xf32, #tpu.memory_space<hbm>> -> memref<20480x128xf32, #tpu.memory_space<hbm>>
    tpu.enqueue_indirect_dma source(%dma_start3A_25 : memref<128x128xf32, #tpu.memory_space<vmem>>) target(%dma_start3A_31 : memref<20480x128xf32, #tpu.memory_space<hbm>>) offsets(%dma_start3A_28 : memref<128xi32, #tpu.memory_space<vmem>>) semaphore(%arg11 : memref<!tpu.dma_semaphore, #tpu.memory_space<semaphore_mem>>)
    %dma_start3A_32 = arith.constant 3 : i32
    %dma_start3A_33 = arith.constant 384 : i32
    %dma_start3A_34 = arith.constant 0 : i32
    %dma_start3A_35 = tpu.memref_slice %arg10[%dma_start3A_33, %dma_start3A_34] : memref<512x128xf32, #tpu.memory_space<vmem>> -> memref<128x128xf32, #tpu.memory_space<vmem>>
    %dma_start3A_36 = arith.constant 0 : i32
    %dma_start3A_37 = tpu.memref_slice %arg9[%dma_start3A_32, %dma_start3A_36] : memref<4x128xi32, #tpu.memory_space<vmem>> -> memref<1x128xi32, #tpu.memory_space<vmem>>
    %dma_start3A_38 = tpu.memref_squeeze %dma_start3A_37 : memref<1x128xi32, #tpu.memory_space<vmem>> -> memref<128xi32, #tpu.memory_space<vmem>>
    %dma_start3A_39 = arith.constant 0 : i32
    %dma_start3A_40 = arith.constant 0 : i32
    %dma_start3A_41 = tpu.memref_slice %arg6[%dma_start3A_39, %dma_start3A_40] : memref<20480x128xf32, #tpu.memory_space<hbm>> -> memref<20480x128xf32, #tpu.memory_space<hbm>>
    tpu.enqueue_indirect_dma source(%dma_start3A_35 : memref<128x128xf32, #tpu.memory_space<vmem>>) target(%dma_start3A_41 : memref<20480x128xf32, #tpu.memory_space<hbm>>) offsets(%dma_start3A_38 : memref<128xi32, #tpu.memory_space<vmem>>) semaphore(%arg11 : memref<!tpu.dma_semaphore, #tpu.memory_space<semaphore_mem>>)
    %dma_wait3A = arith.constant 0 : i32
    %dma_wait3A_42 = arith.constant 0 : i32
    %dma_wait3A_43 = arith.constant 0 : i32
    %dma_wait3A_44 = tpu.memref_slice %arg10[%dma_wait3A_42, %dma_wait3A_43] : memref<512x128xf32, #tpu.memory_space<vmem>> -> memref<128x128xf32, #tpu.memory_space<vmem>>
    %dma_wait3A_45 = arith.constant 0 : i32
    %dma_wait3A_46 = tpu.memref_slice %arg9[%dma_wait3A, %dma_wait3A_45] : memref<4x128xi32, #tpu.memory_space<vmem>> -> memref<1x128xi32, #tpu.memory_space<vmem>>
    %dma_wait3A_47 = tpu.memref_squeeze %dma_wait3A_46 : memref<1x128xi32, #tpu.memory_space<vmem>> -> memref<128xi32, #tpu.memory_space<vmem>>
    %dma_wait3A_48 = arith.constant 0 : i32
    %dma_wait3A_49 = arith.constant 0 : i32
    %dma_wait3A_50 = tpu.memref_slice %arg6[%dma_wait3A_48, %dma_wait3A_49] : memref<20480x128xf32, #tpu.memory_space<hbm>> -> memref<20480x128xf32, #tpu.memory_space<hbm>>
    tpu.wait_indirect_dma semaphore(%arg11 : memref<!tpu.dma_semaphore, #tpu.memory_space<semaphore_mem>>) src(%dma_wait3A_44 : memref<128x128xf32, #tpu.memory_space<vmem>>) dst(%dma_wait3A_50 : memref<20480x128xf32, #tpu.memory_space<hbm>>)
    %dma_wait3A_51 = arith.constant 1 : i32
    %dma_wait3A_52 = arith.constant 128 : i32
    %dma_wait3A_53 = arith.constant 0 : i32
    %dma_wait3A_54 = tpu.memref_slice %arg10[%dma_wait3A_52, %dma_wait3A_53] : memref<512x128xf32, #tpu.memory_space<vmem>> -> memref<128x128xf32, #tpu.memory_space<vmem>>
    %dma_wait3A_55 = arith.constant 0 : i32
    %dma_wait3A_56 = tpu.memref_slice %arg9[%dma_wait3A_51, %dma_wait3A_55] : memref<4x128xi32, #tpu.memory_space<vmem>> -> memref<1x128xi32, #tpu.memory_space<vmem>>
    %dma_wait3A_57 = tpu.memref_squeeze %dma_wait3A_56 : memref<1x128xi32, #tpu.memory_space<vmem>> -> memref<128xi32, #tpu.memory_space<vmem>>
    %dma_wait3A_58 = arith.constant 0 : i32
    %dma_wait3A_59 = arith.constant 0 : i32
    %dma_wait3A_60 = tpu.memref_slice %arg6[%dma_wait3A_58, %dma_wait3A_59] : memref<20480x128xf32, #tpu.memory_space<hbm>> -> memref<20480x128xf32, #tpu.memory_space<hbm>>
    tpu.wait_indirect_dma semaphore(%arg11 : memref<!tpu.dma_semaphore, #tpu.memory_space<semaphore_mem>>) src(%dma_wait3A_54 : memref<128x128xf32, #tpu.memory_space<vmem>>) dst(%dma_wait3A_60 : memref<20480x128xf32, #tpu.memory_space<hbm>>)
    %dma_wait3A_61 = arith.constant 2 : i32
    %dma_wait3A_62 = arith.constant 256 : i32
    %dma_wait3A_63 = arith.constant 0 : i32
    %dma_wait3A_64 = tpu.memref_slice %arg10[%dma_wait3A_62, %dma_wait3A_63] : memref<512x128xf32, #tpu.memory_space<vmem>> -> memref<128x128xf32, #tpu.memory_space<vmem>>
    %dma_wait3A_65 = arith.constant 0 : i32
    %dma_wait3A_66 = tpu.memref_slice %arg9[%dma_wait3A_61, %dma_wait3A_65] : memref<4x128xi32, #tpu.memory_space<vmem>> -> memref<1x128xi32, #tpu.memory_space<vmem>>
    %dma_wait3A_67 = tpu.memref_squeeze %dma_wait3A_66 : memref<1x128xi32, #tpu.memory_space<vmem>> -> memref<128xi32, #tpu.memory_space<vmem>>
    %dma_wait3A_68 = arith.constant 0 : i32
    %dma_wait3A_69 = arith.constant 0 : i32
    %dma_wait3A_70 = tpu.memref_slice %arg6[%dma_wait3A_68, %dma_wait3A_69] : memref<20480x128xf32, #tpu.memory_space<hbm>> -> memref<20480x128xf32, #tpu.memory_space<hbm>>
    tpu.wait_indirect_dma semaphore(%arg11 : memref<!tpu.dma_semaphore, #tpu.memory_space<semaphore_mem>>) src(%dma_wait3A_64 : memref<128x128xf32, #tpu.memory_space<vmem>>) dst(%dma_wait3A_70 : memref<20480x128xf32, #tpu.memory_space<hbm>>)
    %dma_wait3A_71 = arith.constant 3 : i32
    %dma_wait3A_72 = arith.constant 384 : i32
    %dma_wait3A_73 = arith.constant 0 : i32
    %dma_wait3A_74 = tpu.memref_slice %arg10[%dma_wait3A_72, %dma_wait3A_73] : memref<512x128xf32, #tpu.memory_space<vmem>> -> memref<128x128xf32, #tpu.memory_space<vmem>>
    %dma_wait3A_75 = arith.constant 0 : i32
    %dma_wait3A_76 = tpu.memref_slice %arg9[%dma_wait3A_71, %dma_wait3A_75] : memref<4x128xi32, #tpu.memory_space<vmem>> -> memref<1x128xi32, #tpu.memory_space<vmem>>
    %dma_wait3A_77 = tpu.memref_squeeze %dma_wait3A_76 : memref<1x128xi32, #tpu.memory_space<vmem>> -> memref<128xi32, #tpu.memory_space<vmem>>
    %dma_wait3A_78 = arith.constant 0 : i32
    %dma_wait3A_79 = arith.constant 0 : i32
    %dma_wait3A_80 = tpu.memref_slice %arg6[%dma_wait3A_78, %dma_wait3A_79] : memref<20480x128xf32, #tpu.memory_space<hbm>> -> memref<20480x128xf32, #tpu.memory_space<hbm>>
    tpu.wait_indirect_dma semaphore(%arg11 : memref<!tpu.dma_semaphore, #tpu.memory_space<semaphore_mem>>) src(%dma_wait3A_74 : memref<128x128xf32, #tpu.memory_space<vmem>>) dst(%dma_wait3A_80 : memref<20480x128xf32, #tpu.memory_space<hbm>>)
    "tpu.region"() ({
      %run_scoped3A = tpu.sem_alloc : memref<!tpu.dma_semaphore, #tpu.memory_space<semaphore_mem>>
      %dma_start3A_241 = arith.constant 0 : i32
      %dma_start3A_242 = tpu.memref_slice %arg4[%mul3A_2, %dma_start3A_241] : memref<16384x128xf32, #tpu.memory_space<hbm>> -> memref<512x128xf32, #tpu.memory_space<hbm>>
      %dma_start3A_243 = arith.constant 0 : i32
      %dma_start3A_244 = tpu.memref_slice %arg4[%mul3A_2, %dma_start3A_243] : memref<16384x128xf32, #tpu.memory_space<hbm>> -> memref<512x128xf32, #tpu.memory_space<hbm>>
      tpu.enqueue_dma source(%dma_start3A_244 : memref<512x128xf32, #tpu.memory_space<hbm>>) target(%arg10 : memref<512x128xf32, #tpu.memory_space<vmem>>) target_semaphore(%run_scoped3A : memref<!tpu.dma_semaphore, #tpu.memory_space<semaphore_mem>>)
      %dma_wait3A_245 = arith.constant 0 : i32
      %dma_wait3A_246 = tpu.memref_slice %arg4[%mul3A_2, %dma_wait3A_245] : memref<16384x128xf32, #tpu.memory_space<hbm>> -> memref<512x128xf32, #tpu.memory_space<hbm>>
      %dma_wait3A_247 = arith.constant 0 : i32
      %dma_wait3A_248 = tpu.memref_slice %arg4[%mul3A_2, %dma_wait3A_247] : memref<16384x128xf32, #tpu.memory_space<hbm>> -> memref<512x128xf32, #tpu.memory_space<hbm>>
      tpu.wait_dma2 semaphore(%run_scoped3A : memref<!tpu.dma_semaphore, #tpu.memory_space<semaphore_mem>>) src(%dma_wait3A_248 : memref<512x128xf32, #tpu.memory_space<hbm>>) dst(%arg10 : memref<512x128xf32, #tpu.memory_space<vmem>>)
      tpu.yield
    }) : () -> ()
    %dma_start3A_81 = arith.constant 0 : i32
    %dma_start3A_82 = arith.constant 0 : i32
    %dma_start3A_83 = arith.constant 0 : i32
    %dma_start3A_84 = tpu.memref_slice %arg10[%dma_start3A_82, %dma_start3A_83] : memref<512x128xf32, #tpu.memory_space<vmem>> -> memref<128x128xf32, #tpu.memory_space<vmem>>
    %dma_start3A_85 = arith.constant 0 : i32
    %dma_start3A_86 = tpu.memref_slice %arg9[%dma_start3A_81, %dma_start3A_85] : memref<4x128xi32, #tpu.memory_space<vmem>> -> memref<1x128xi32, #tpu.memory_space<vmem>>
    %dma_start3A_87 = tpu.memref_squeeze %dma_start3A_86 : memref<1x128xi32, #tpu.memory_space<vmem>> -> memref<128xi32, #tpu.memory_space<vmem>>
    %dma_start3A_88 = arith.constant 0 : i32
    %dma_start3A_89 = arith.constant 0 : i32
    %dma_start3A_90 = tpu.memref_slice %arg7[%dma_start3A_88, %dma_start3A_89] : memref<20480x128xf32, #tpu.memory_space<hbm>> -> memref<20480x128xf32, #tpu.memory_space<hbm>>
    tpu.enqueue_indirect_dma source(%dma_start3A_84 : memref<128x128xf32, #tpu.memory_space<vmem>>) target(%dma_start3A_90 : memref<20480x128xf32, #tpu.memory_space<hbm>>) offsets(%dma_start3A_87 : memref<128xi32, #tpu.memory_space<vmem>>) semaphore(%arg11 : memref<!tpu.dma_semaphore, #tpu.memory_space<semaphore_mem>>)
    %dma_start3A_91 = arith.constant 1 : i32
    %dma_start3A_92 = arith.constant 128 : i32
    %dma_start3A_93 = arith.constant 0 : i32
    %dma_start3A_94 = tpu.memref_slice %arg10[%dma_start3A_92, %dma_start3A_93] : memref<512x128xf32, #tpu.memory_space<vmem>> -> memref<128x128xf32, #tpu.memory_space<vmem>>
    %dma_start3A_95 = arith.constant 0 : i32
    %dma_start3A_96 = tpu.memref_slice %arg9[%dma_start3A_91, %dma_start3A_95] : memref<4x128xi32, #tpu.memory_space<vmem>> -> memref<1x128xi32, #tpu.memory_space<vmem>>
    %dma_start3A_97 = tpu.memref_squeeze %dma_start3A_96 : memref<1x128xi32, #tpu.memory_space<vmem>> -> memref<128xi32, #tpu.memory_space<vmem>>
    %dma_start3A_98 = arith.constant 0 : i32
    %dma_start3A_99 = arith.constant 0 : i32
    %dma_start3A_100 = tpu.memref_slice %arg7[%dma_start3A_98, %dma_start3A_99] : memref<20480x128xf32, #tpu.memory_space<hbm>> -> memref<20480x128xf32, #tpu.memory_space<hbm>>
    tpu.enqueue_indirect_dma source(%dma_start3A_94 : memref<128x128xf32, #tpu.memory_space<vmem>>) target(%dma_start3A_100 : memref<20480x128xf32, #tpu.memory_space<hbm>>) offsets(%dma_start3A_97 : memref<128xi32, #tpu.memory_space<vmem>>) semaphore(%arg11 : memref<!tpu.dma_semaphore, #tpu.memory_space<semaphore_mem>>)
    %dma_start3A_101 = arith.constant 2 : i32
    %dma_start3A_102 = arith.constant 256 : i32
    %dma_start3A_103 = arith.constant 0 : i32
    %dma_start3A_104 = tpu.memref_slice %arg10[%dma_start3A_102, %dma_start3A_103] : memref<512x128xf32, #tpu.memory_space<vmem>> -> memref<128x128xf32, #tpu.memory_space<vmem>>
    %dma_start3A_105 = arith.constant 0 : i32
    %dma_start3A_106 = tpu.memref_slice %arg9[%dma_start3A_101, %dma_start3A_105] : memref<4x128xi32, #tpu.memory_space<vmem>> -> memref<1x128xi32, #tpu.memory_space<vmem>>
    %dma_start3A_107 = tpu.memref_squeeze %dma_start3A_106 : memref<1x128xi32, #tpu.memory_space<vmem>> -> memref<128xi32, #tpu.memory_space<vmem>>
    %dma_start3A_108 = arith.constant 0 : i32
    %dma_start3A_109 = arith.constant 0 : i32
    %dma_start3A_110 = tpu.memref_slice %arg7[%dma_start3A_108, %dma_start3A_109] : memref<20480x128xf32, #tpu.memory_space<hbm>> -> memref<20480x128xf32, #tpu.memory_space<hbm>>
    tpu.enqueue_indirect_dma source(%dma_start3A_104 : memref<128x128xf32, #tpu.memory_space<vmem>>) target(%dma_start3A_110 : memref<20480x128xf32, #tpu.memory_space<hbm>>) offsets(%dma_start3A_107 : memref<128xi32, #tpu.memory_space<vmem>>) semaphore(%arg11 : memref<!tpu.dma_semaphore, #tpu.memory_space<semaphore_mem>>)
    %dma_start3A_111 = arith.constant 3 : i32
    %dma_start3A_112 = arith.constant 384 : i32
    %dma_start3A_113 = arith.constant 0 : i32
    %dma_start3A_114 = tpu.memref_slice %arg10[%dma_start3A_112, %dma_start3A_113] : memref<512x128xf32, #tpu.memory_space<vmem>> -> memref<128x128xf32, #tpu.memory_space<vmem>>
    %dma_start3A_115 = arith.constant 0 : i32
    %dma_start3A_116 = tpu.memref_slice %arg9[%dma_start3A_111, %dma_start3A_115] : memref<4x128xi32, #tpu.memory_space<vmem>> -> memref<1x128xi32, #tpu.memory_space<vmem>>
    %dma_start3A_117 = tpu.memref_squeeze %dma_start3A_116 : memref<1x128xi32, #tpu.memory_space<vmem>> -> memref<128xi32, #tpu.memory_space<vmem>>
    %dma_start3A_118 = arith.constant 0 : i32
    %dma_start3A_119 = arith.constant 0 : i32
    %dma_start3A_120 = tpu.memref_slice %arg7[%dma_start3A_118, %dma_start3A_119] : memref<20480x128xf32, #tpu.memory_space<hbm>> -> memref<20480x128xf32, #tpu.memory_space<hbm>>
    tpu.enqueue_indirect_dma source(%dma_start3A_114 : memref<128x128xf32, #tpu.memory_space<vmem>>) target(%dma_start3A_120 : memref<20480x128xf32, #tpu.memory_space<hbm>>) offsets(%dma_start3A_117 : memref<128xi32, #tpu.memory_space<vmem>>) semaphore(%arg11 : memref<!tpu.dma_semaphore, #tpu.memory_space<semaphore_mem>>)
    %dma_wait3A_121 = arith.constant 0 : i32
    %dma_wait3A_122 = arith.constant 0 : i32
    %dma_wait3A_123 = arith.constant 0 : i32
    %dma_wait3A_124 = tpu.memref_slice %arg10[%dma_wait3A_122, %dma_wait3A_123] : memref<512x128xf32, #tpu.memory_space<vmem>> -> memref<128x128xf32, #tpu.memory_space<vmem>>
    %dma_wait3A_125 = arith.constant 0 : i32
    %dma_wait3A_126 = tpu.memref_slice %arg9[%dma_wait3A_121, %dma_wait3A_125] : memref<4x128xi32, #tpu.memory_space<vmem>> -> memref<1x128xi32, #tpu.memory_space<vmem>>
    %dma_wait3A_127 = tpu.memref_squeeze %dma_wait3A_126 : memref<1x128xi32, #tpu.memory_space<vmem>> -> memref<128xi32, #tpu.memory_space<vmem>>
    %dma_wait3A_128 = arith.constant 0 : i32
    %dma_wait3A_129 = arith.constant 0 : i32
    %dma_wait3A_130 = tpu.memref_slice %arg7[%dma_wait3A_128, %dma_wait3A_129] : memref<20480x128xf32, #tpu.memory_space<hbm>> -> memref<20480x128xf32, #tpu.memory_space<hbm>>
    tpu.wait_indirect_dma semaphore(%arg11 : memref<!tpu.dma_semaphore, #tpu.memory_space<semaphore_mem>>) src(%dma_wait3A_124 : memref<128x128xf32, #tpu.memory_space<vmem>>) dst(%dma_wait3A_130 : memref<20480x128xf32, #tpu.memory_space<hbm>>)
    %dma_wait3A_131 = arith.constant 1 : i32
    %dma_wait3A_132 = arith.constant 128 : i32
    %dma_wait3A_133 = arith.constant 0 : i32
    %dma_wait3A_134 = tpu.memref_slice %arg10[%dma_wait3A_132, %dma_wait3A_133] : memref<512x128xf32, #tpu.memory_space<vmem>> -> memref<128x128xf32, #tpu.memory_space<vmem>>
    %dma_wait3A_135 = arith.constant 0 : i32
    %dma_wait3A_136 = tpu.memref_slice %arg9[%dma_wait3A_131, %dma_wait3A_135] : memref<4x128xi32, #tpu.memory_space<vmem>> -> memref<1x128xi32, #tpu.memory_space<vmem>>
    %dma_wait3A_137 = tpu.memref_squeeze %dma_wait3A_136 : memref<1x128xi32, #tpu.memory_space<vmem>> -> memref<128xi32, #tpu.memory_space<vmem>>
    %dma_wait3A_138 = arith.constant 0 : i32
    %dma_wait3A_139 = arith.constant 0 : i32
    %dma_wait3A_140 = tpu.memref_slice %arg7[%dma_wait3A_138, %dma_wait3A_139] : memref<20480x128xf32, #tpu.memory_space<hbm>> -> memref<20480x128xf32, #tpu.memory_space<hbm>>
    tpu.wait_indirect_dma semaphore(%arg11 : memref<!tpu.dma_semaphore, #tpu.memory_space<semaphore_mem>>) src(%dma_wait3A_134 : memref<128x128xf32, #tpu.memory_space<vmem>>) dst(%dma_wait3A_140 : memref<20480x128xf32, #tpu.memory_space<hbm>>)
    %dma_wait3A_141 = arith.constant 2 : i32
    %dma_wait3A_142 = arith.constant 256 : i32
    %dma_wait3A_143 = arith.constant 0 : i32
    %dma_wait3A_144 = tpu.memref_slice %arg10[%dma_wait3A_142, %dma_wait3A_143] : memref<512x128xf32, #tpu.memory_space<vmem>> -> memref<128x128xf32, #tpu.memory_space<vmem>>
    %dma_wait3A_145 = arith.constant 0 : i32
    %dma_wait3A_146 = tpu.memref_slice %arg9[%dma_wait3A_141, %dma_wait3A_145] : memref<4x128xi32, #tpu.memory_space<vmem>> -> memref<1x128xi32, #tpu.memory_space<vmem>>
    %dma_wait3A_147 = tpu.memref_squeeze %dma_wait3A_146 : memref<1x128xi32, #tpu.memory_space<vmem>> -> memref<128xi32, #tpu.memory_space<vmem>>
    %dma_wait3A_148 = arith.constant 0 : i32
    %dma_wait3A_149 = arith.constant 0 : i32
    %dma_wait3A_150 = tpu.memref_slice %arg7[%dma_wait3A_148, %dma_wait3A_149] : memref<20480x128xf32, #tpu.memory_space<hbm>> -> memref<20480x128xf32, #tpu.memory_space<hbm>>
    tpu.wait_indirect_dma semaphore(%arg11 : memref<!tpu.dma_semaphore, #tpu.memory_space<semaphore_mem>>) src(%dma_wait3A_144 : memref<128x128xf32, #tpu.memory_space<vmem>>) dst(%dma_wait3A_150 : memref<20480x128xf32, #tpu.memory_space<hbm>>)
    %dma_wait3A_151 = arith.constant 3 : i32
    %dma_wait3A_152 = arith.constant 384 : i32
    %dma_wait3A_153 = arith.constant 0 : i32
    %dma_wait3A_154 = tpu.memref_slice %arg10[%dma_wait3A_152, %dma_wait3A_153] : memref<512x128xf32, #tpu.memory_space<vmem>> -> memref<128x128xf32, #tpu.memory_space<vmem>>
    %dma_wait3A_155 = arith.constant 0 : i32
    %dma_wait3A_156 = tpu.memref_slice %arg9[%dma_wait3A_151, %dma_wait3A_155] : memref<4x128xi32, #tpu.memory_space<vmem>> -> memref<1x128xi32, #tpu.memory_space<vmem>>
    %dma_wait3A_157 = tpu.memref_squeeze %dma_wait3A_156 : memref<1x128xi32, #tpu.memory_space<vmem>> -> memref<128xi32, #tpu.memory_space<vmem>>
    %dma_wait3A_158 = arith.constant 0 : i32
    %dma_wait3A_159 = arith.constant 0 : i32
    %dma_wait3A_160 = tpu.memref_slice %arg7[%dma_wait3A_158, %dma_wait3A_159] : memref<20480x128xf32, #tpu.memory_space<hbm>> -> memref<20480x128xf32, #tpu.memory_space<hbm>>
    tpu.wait_indirect_dma semaphore(%arg11 : memref<!tpu.dma_semaphore, #tpu.memory_space<semaphore_mem>>) src(%dma_wait3A_154 : memref<128x128xf32, #tpu.memory_space<vmem>>) dst(%dma_wait3A_160 : memref<20480x128xf32, #tpu.memory_space<hbm>>)
    "tpu.region"() ({
      %run_scoped3A = tpu.sem_alloc : memref<!tpu.dma_semaphore, #tpu.memory_space<semaphore_mem>>
      %dma_start3A_241 = arith.constant 0 : i32
      %dma_start3A_242 = tpu.memref_slice %arg5[%mul3A_2, %dma_start3A_241] : memref<16384x128xf32, #tpu.memory_space<hbm>> -> memref<512x128xf32, #tpu.memory_space<hbm>>
      %dma_start3A_243 = arith.constant 0 : i32
      %dma_start3A_244 = tpu.memref_slice %arg5[%mul3A_2, %dma_start3A_243] : memref<16384x128xf32, #tpu.memory_space<hbm>> -> memref<512x128xf32, #tpu.memory_space<hbm>>
      tpu.enqueue_dma source(%dma_start3A_244 : memref<512x128xf32, #tpu.memory_space<hbm>>) target(%arg10 : memref<512x128xf32, #tpu.memory_space<vmem>>) target_semaphore(%run_scoped3A : memref<!tpu.dma_semaphore, #tpu.memory_space<semaphore_mem>>)
      %dma_wait3A_245 = arith.constant 0 : i32
      %dma_wait3A_246 = tpu.memref_slice %arg5[%mul3A_2, %dma_wait3A_245] : memref<16384x128xf32, #tpu.memory_space<hbm>> -> memref<512x128xf32, #tpu.memory_space<hbm>>
      %dma_wait3A_247 = arith.constant 0 : i32
      %dma_wait3A_248 = tpu.memref_slice %arg5[%mul3A_2, %dma_wait3A_247] : memref<16384x128xf32, #tpu.memory_space<hbm>> -> memref<512x128xf32, #tpu.memory_space<hbm>>
      tpu.wait_dma2 semaphore(%run_scoped3A : memref<!tpu.dma_semaphore, #tpu.memory_space<semaphore_mem>>) src(%dma_wait3A_248 : memref<512x128xf32, #tpu.memory_space<hbm>>) dst(%arg10 : memref<512x128xf32, #tpu.memory_space<vmem>>)
      tpu.yield
    }) : () -> ()
    %dma_start3A_161 = arith.constant 0 : i32
    %dma_start3A_162 = arith.constant 0 : i32
    %dma_start3A_163 = arith.constant 0 : i32
    %dma_start3A_164 = tpu.memref_slice %arg10[%dma_start3A_162, %dma_start3A_163] : memref<512x128xf32, #tpu.memory_space<vmem>> -> memref<128x128xf32, #tpu.memory_space<vmem>>
    %dma_start3A_165 = arith.constant 0 : i32
    %dma_start3A_166 = tpu.memref_slice %arg9[%dma_start3A_161, %dma_start3A_165] : memref<4x128xi32, #tpu.memory_space<vmem>> -> memref<1x128xi32, #tpu.memory_space<vmem>>
    %dma_start3A_167 = tpu.memref_squeeze %dma_start3A_166 : memref<1x128xi32, #tpu.memory_space<vmem>> -> memref<128xi32, #tpu.memory_space<vmem>>
    %dma_start3A_168 = arith.constant 0 : i32
    %dma_start3A_169 = arith.constant 0 : i32
    %dma_start3A_170 = tpu.memref_slice %arg8[%dma_start3A_168, %dma_start3A_169] : memref<20480x128xf32, #tpu.memory_space<hbm>> -> memref<20480x128xf32, #tpu.memory_space<hbm>>
    tpu.enqueue_indirect_dma source(%dma_start3A_164 : memref<128x128xf32, #tpu.memory_space<vmem>>) target(%dma_start3A_170 : memref<20480x128xf32, #tpu.memory_space<hbm>>) offsets(%dma_start3A_167 : memref<128xi32, #tpu.memory_space<vmem>>) semaphore(%arg11 : memref<!tpu.dma_semaphore, #tpu.memory_space<semaphore_mem>>)
    %dma_start3A_171 = arith.constant 1 : i32
    %dma_start3A_172 = arith.constant 128 : i32
    %dma_start3A_173 = arith.constant 0 : i32
    %dma_start3A_174 = tpu.memref_slice %arg10[%dma_start3A_172, %dma_start3A_173] : memref<512x128xf32, #tpu.memory_space<vmem>> -> memref<128x128xf32, #tpu.memory_space<vmem>>
    %dma_start3A_175 = arith.constant 0 : i32
    %dma_start3A_176 = tpu.memref_slice %arg9[%dma_start3A_171, %dma_start3A_175] : memref<4x128xi32, #tpu.memory_space<vmem>> -> memref<1x128xi32, #tpu.memory_space<vmem>>
    %dma_start3A_177 = tpu.memref_squeeze %dma_start3A_176 : memref<1x128xi32, #tpu.memory_space<vmem>> -> memref<128xi32, #tpu.memory_space<vmem>>
    %dma_start3A_178 = arith.constant 0 : i32
    %dma_start3A_179 = arith.constant 0 : i32
    %dma_start3A_180 = tpu.memref_slice %arg8[%dma_start3A_178, %dma_start3A_179] : memref<20480x128xf32, #tpu.memory_space<hbm>> -> memref<20480x128xf32, #tpu.memory_space<hbm>>
    tpu.enqueue_indirect_dma source(%dma_start3A_174 : memref<128x128xf32, #tpu.memory_space<vmem>>) target(%dma_start3A_180 : memref<20480x128xf32, #tpu.memory_space<hbm>>) offsets(%dma_start3A_177 : memref<128xi32, #tpu.memory_space<vmem>>) semaphore(%arg11 : memref<!tpu.dma_semaphore, #tpu.memory_space<semaphore_mem>>)
    %dma_start3A_181 = arith.constant 2 : i32
    %dma_start3A_182 = arith.constant 256 : i32
    %dma_start3A_183 = arith.constant 0 : i32
    %dma_start3A_184 = tpu.memref_slice %arg10[%dma_start3A_182, %dma_start3A_183] : memref<512x128xf32, #tpu.memory_space<vmem>> -> memref<128x128xf32, #tpu.memory_space<vmem>>
    %dma_start3A_185 = arith.constant 0 : i32
    %dma_start3A_186 = tpu.memref_slice %arg9[%dma_start3A_181, %dma_start3A_185] : memref<4x128xi32, #tpu.memory_space<vmem>> -> memref<1x128xi32, #tpu.memory_space<vmem>>
    %dma_start3A_187 = tpu.memref_squeeze %dma_start3A_186 : memref<1x128xi32, #tpu.memory_space<vmem>> -> memref<128xi32, #tpu.memory_space<vmem>>
    %dma_start3A_188 = arith.constant 0 : i32
    %dma_start3A_189 = arith.constant 0 : i32
    %dma_start3A_190 = tpu.memref_slice %arg8[%dma_start3A_188, %dma_start3A_189] : memref<20480x128xf32, #tpu.memory_space<hbm>> -> memref<20480x128xf32, #tpu.memory_space<hbm>>
    tpu.enqueue_indirect_dma source(%dma_start3A_184 : memref<128x128xf32, #tpu.memory_space<vmem>>) target(%dma_start3A_190 : memref<20480x128xf32, #tpu.memory_space<hbm>>) offsets(%dma_start3A_187 : memref<128xi32, #tpu.memory_space<vmem>>) semaphore(%arg11 : memref<!tpu.dma_semaphore, #tpu.memory_space<semaphore_mem>>)
    %dma_start3A_191 = arith.constant 3 : i32
    %dma_start3A_192 = arith.constant 384 : i32
    %dma_start3A_193 = arith.constant 0 : i32
    %dma_start3A_194 = tpu.memref_slice %arg10[%dma_start3A_192, %dma_start3A_193] : memref<512x128xf32, #tpu.memory_space<vmem>> -> memref<128x128xf32, #tpu.memory_space<vmem>>
    %dma_start3A_195 = arith.constant 0 : i32
    %dma_start3A_196 = tpu.memref_slice %arg9[%dma_start3A_191, %dma_start3A_195] : memref<4x128xi32, #tpu.memory_space<vmem>> -> memref<1x128xi32, #tpu.memory_space<vmem>>
    %dma_start3A_197 = tpu.memref_squeeze %dma_start3A_196 : memref<1x128xi32, #tpu.memory_space<vmem>> -> memref<128xi32, #tpu.memory_space<vmem>>
    %dma_start3A_198 = arith.constant 0 : i32
    %dma_start3A_199 = arith.constant 0 : i32
    %dma_start3A_200 = tpu.memref_slice %arg8[%dma_start3A_198, %dma_start3A_199] : memref<20480x128xf32, #tpu.memory_space<hbm>> -> memref<20480x128xf32, #tpu.memory_space<hbm>>
    tpu.enqueue_indirect_dma source(%dma_start3A_194 : memref<128x128xf32, #tpu.memory_space<vmem>>) target(%dma_start3A_200 : memref<20480x128xf32, #tpu.memory_space<hbm>>) offsets(%dma_start3A_197 : memref<128xi32, #tpu.memory_space<vmem>>) semaphore(%arg11 : memref<!tpu.dma_semaphore, #tpu.memory_space<semaphore_mem>>)
    %dma_wait3A_201 = arith.constant 0 : i32
    %dma_wait3A_202 = arith.constant 0 : i32
    %dma_wait3A_203 = arith.constant 0 : i32
    %dma_wait3A_204 = tpu.memref_slice %arg10[%dma_wait3A_202, %dma_wait3A_203] : memref<512x128xf32, #tpu.memory_space<vmem>> -> memref<128x128xf32, #tpu.memory_space<vmem>>
    %dma_wait3A_205 = arith.constant 0 : i32
    %dma_wait3A_206 = tpu.memref_slice %arg9[%dma_wait3A_201, %dma_wait3A_205] : memref<4x128xi32, #tpu.memory_space<vmem>> -> memref<1x128xi32, #tpu.memory_space<vmem>>
    %dma_wait3A_207 = tpu.memref_squeeze %dma_wait3A_206 : memref<1x128xi32, #tpu.memory_space<vmem>> -> memref<128xi32, #tpu.memory_space<vmem>>
    %dma_wait3A_208 = arith.constant 0 : i32
    %dma_wait3A_209 = arith.constant 0 : i32
    %dma_wait3A_210 = tpu.memref_slice %arg8[%dma_wait3A_208, %dma_wait3A_209] : memref<20480x128xf32, #tpu.memory_space<hbm>> -> memref<20480x128xf32, #tpu.memory_space<hbm>>
    tpu.wait_indirect_dma semaphore(%arg11 : memref<!tpu.dma_semaphore, #tpu.memory_space<semaphore_mem>>) src(%dma_wait3A_204 : memref<128x128xf32, #tpu.memory_space<vmem>>) dst(%dma_wait3A_210 : memref<20480x128xf32, #tpu.memory_space<hbm>>)
    %dma_wait3A_211 = arith.constant 1 : i32
    %dma_wait3A_212 = arith.constant 128 : i32
    %dma_wait3A_213 = arith.constant 0 : i32
    %dma_wait3A_214 = tpu.memref_slice %arg10[%dma_wait3A_212, %dma_wait3A_213] : memref<512x128xf32, #tpu.memory_space<vmem>> -> memref<128x128xf32, #tpu.memory_space<vmem>>
    %dma_wait3A_215 = arith.constant 0 : i32
    %dma_wait3A_216 = tpu.memref_slice %arg9[%dma_wait3A_211, %dma_wait3A_215] : memref<4x128xi32, #tpu.memory_space<vmem>> -> memref<1x128xi32, #tpu.memory_space<vmem>>
    %dma_wait3A_217 = tpu.memref_squeeze %dma_wait3A_216 : memref<1x128xi32, #tpu.memory_space<vmem>> -> memref<128xi32, #tpu.memory_space<vmem>>
    %dma_wait3A_218 = arith.constant 0 : i32
    %dma_wait3A_219 = arith.constant 0 : i32
    %dma_wait3A_220 = tpu.memref_slice %arg8[%dma_wait3A_218, %dma_wait3A_219] : memref<20480x128xf32, #tpu.memory_space<hbm>> -> memref<20480x128xf32, #tpu.memory_space<hbm>>
    tpu.wait_indirect_dma semaphore(%arg11 : memref<!tpu.dma_semaphore, #tpu.memory_space<semaphore_mem>>) src(%dma_wait3A_214 : memref<128x128xf32, #tpu.memory_space<vmem>>) dst(%dma_wait3A_220 : memref<20480x128xf32, #tpu.memory_space<hbm>>)
    %dma_wait3A_221 = arith.constant 2 : i32
    %dma_wait3A_222 = arith.constant 256 : i32
    %dma_wait3A_223 = arith.constant 0 : i32
    %dma_wait3A_224 = tpu.memref_slice %arg10[%dma_wait3A_222, %dma_wait3A_223] : memref<512x128xf32, #tpu.memory_space<vmem>> -> memref<128x128xf32, #tpu.memory_space<vmem>>
    %dma_wait3A_225 = arith.constant 0 : i32
    %dma_wait3A_226 = tpu.memref_slice %arg9[%dma_wait3A_221, %dma_wait3A_225] : memref<4x128xi32, #tpu.memory_space<vmem>> -> memref<1x128xi32, #tpu.memory_space<vmem>>
    %dma_wait3A_227 = tpu.memref_squeeze %dma_wait3A_226 : memref<1x128xi32, #tpu.memory_space<vmem>> -> memref<128xi32, #tpu.memory_space<vmem>>
    %dma_wait3A_228 = arith.constant 0 : i32
    %dma_wait3A_229 = arith.constant 0 : i32
    %dma_wait3A_230 = tpu.memref_slice %arg8[%dma_wait3A_228, %dma_wait3A_229] : memref<20480x128xf32, #tpu.memory_space<hbm>> -> memref<20480x128xf32, #tpu.memory_space<hbm>>
    tpu.wait_indirect_dma semaphore(%arg11 : memref<!tpu.dma_semaphore, #tpu.memory_space<semaphore_mem>>) src(%dma_wait3A_224 : memref<128x128xf32, #tpu.memory_space<vmem>>) dst(%dma_wait3A_230 : memref<20480x128xf32, #tpu.memory_space<hbm>>)
    %dma_wait3A_231 = arith.constant 3 : i32
    %dma_wait3A_232 = arith.constant 384 : i32
    %dma_wait3A_233 = arith.constant 0 : i32
    %dma_wait3A_234 = tpu.memref_slice %arg10[%dma_wait3A_232, %dma_wait3A_233] : memref<512x128xf32, #tpu.memory_space<vmem>> -> memref<128x128xf32, #tpu.memory_space<vmem>>
    %dma_wait3A_235 = arith.constant 0 : i32
    %dma_wait3A_236 = tpu.memref_slice %arg9[%dma_wait3A_231, %dma_wait3A_235] : memref<4x128xi32, #tpu.memory_space<vmem>> -> memref<1x128xi32, #tpu.memory_space<vmem>>
    %dma_wait3A_237 = tpu.memref_squeeze %dma_wait3A_236 : memref<1x128xi32, #tpu.memory_space<vmem>> -> memref<128xi32, #tpu.memory_space<vmem>>
    %dma_wait3A_238 = arith.constant 0 : i32
    %dma_wait3A_239 = arith.constant 0 : i32
    %dma_wait3A_240 = tpu.memref_slice %arg8[%dma_wait3A_238, %dma_wait3A_239] : memref<20480x128xf32, #tpu.memory_space<hbm>> -> memref<20480x128xf32, #tpu.memory_space<hbm>>
    tpu.wait_indirect_dma semaphore(%arg11 : memref<!tpu.dma_semaphore, #tpu.memory_space<semaphore_mem>>) src(%dma_wait3A_234 : memref<128x128xf32, #tpu.memory_space<vmem>>) dst(%dma_wait3A_240 : memref<20480x128xf32, #tpu.memory_space<hbm>>)
    return
  }
}

#map = affine_map<(d0, d1) -> (0, 0, 0)>
#map1 = affine_map<(d0, d1) -> (0, 0)>
module attributes {stable_mosaic.version = 14 : i64} {
  func.func @sc_gather_out(%arg0: i32, %arg1: i32, %arg2: memref<32x4x128xi32, #tpu.memory_space<hbm>>, %arg3: memref<20480x128xf32, #tpu.memory_space<hbm>>, %arg4: memref<16384x128xf32, #tpu.memory_space<hbm>>, %arg5: memref<4x128xi32, #tpu.memory_space<vmem>>, %arg6: memref<512x128xf32, #tpu.memory_space<vmem>>, %arg7: memref<!tpu.dma_semaphore, #tpu.memory_space<semaphore_mem>>) attributes {dimension_semantics = [#tpu.dimension_semantics<core_parallel>, #tpu.dimension_semantics<subcore_parallel>], iteration_bounds = array<i64: 2, 16>, scalar_prefetch = 0 : i64, scratch_operands = 3 : i64, tpu.core_type = #tpu.core_type<sc_vector_subcore>, window_params = [{transform_indices = #map}, {transform_indices = #map1}, {transform_indices = #map1}]} {
    %mul3A = arith.constant 2 : i32
    %mul3A_0 = arith.muli %arg1, %mul3A : i32
    %add3A = arith.addi %mul3A_0, %arg0 : i32
    %mul3A_1 = arith.constant 512 : i32
    %mul3A_2 = arith.muli %add3A, %mul3A_1 : i32
    "tpu.region"() ({
      %run_scoped3A = tpu.sem_alloc : memref<!tpu.dma_semaphore, #tpu.memory_space<semaphore_mem>>
      %dma_start3A_81 = arith.constant 0 : i32
      %dma_start3A_82 = arith.constant 0 : i32
      %dma_start3A_83 = tpu.memref_slice %arg2[%add3A, %dma_start3A_81, %dma_start3A_82] : memref<32x4x128xi32, #tpu.memory_space<hbm>> -> memref<1x4x128xi32, #tpu.memory_space<hbm>>
      %dma_start3A_84 = tpu.memref_squeeze %dma_start3A_83 : memref<1x4x128xi32, #tpu.memory_space<hbm>> -> memref<4x128xi32, #tpu.memory_space<hbm>>
      %dma_start3A_85 = arith.constant 0 : i32
      %dma_start3A_86 = arith.constant 0 : i32
      %dma_start3A_87 = tpu.memref_slice %arg2[%add3A, %dma_start3A_85, %dma_start3A_86] : memref<32x4x128xi32, #tpu.memory_space<hbm>> -> memref<1x4x128xi32, #tpu.memory_space<hbm>>
      %dma_start3A_88 = tpu.memref_squeeze %dma_start3A_87 : memref<1x4x128xi32, #tpu.memory_space<hbm>> -> memref<4x128xi32, #tpu.memory_space<hbm>>
      tpu.enqueue_dma source(%dma_start3A_88 : memref<4x128xi32, #tpu.memory_space<hbm>>) target(%arg5 : memref<4x128xi32, #tpu.memory_space<vmem>>) target_semaphore(%run_scoped3A : memref<!tpu.dma_semaphore, #tpu.memory_space<semaphore_mem>>)
      %dma_wait3A_89 = arith.constant 0 : i32
      %dma_wait3A_90 = arith.constant 0 : i32
      %dma_wait3A_91 = tpu.memref_slice %arg2[%add3A, %dma_wait3A_89, %dma_wait3A_90] : memref<32x4x128xi32, #tpu.memory_space<hbm>> -> memref<1x4x128xi32, #tpu.memory_space<hbm>>
      %dma_wait3A_92 = tpu.memref_squeeze %dma_wait3A_91 : memref<1x4x128xi32, #tpu.memory_space<hbm>> -> memref<4x128xi32, #tpu.memory_space<hbm>>
      %dma_wait3A_93 = arith.constant 0 : i32
      %dma_wait3A_94 = arith.constant 0 : i32
      %dma_wait3A_95 = tpu.memref_slice %arg2[%add3A, %dma_wait3A_93, %dma_wait3A_94] : memref<32x4x128xi32, #tpu.memory_space<hbm>> -> memref<1x4x128xi32, #tpu.memory_space<hbm>>
      %dma_wait3A_96 = tpu.memref_squeeze %dma_wait3A_95 : memref<1x4x128xi32, #tpu.memory_space<hbm>> -> memref<4x128xi32, #tpu.memory_space<hbm>>
      tpu.wait_dma2 semaphore(%run_scoped3A : memref<!tpu.dma_semaphore, #tpu.memory_space<semaphore_mem>>) src(%dma_wait3A_96 : memref<4x128xi32, #tpu.memory_space<hbm>>) dst(%arg5 : memref<4x128xi32, #tpu.memory_space<vmem>>)
      tpu.yield
    }) : () -> ()
    %dma_start3A = arith.constant 0 : i32
    %dma_start3A_3 = arith.constant 0 : i32
    %dma_start3A_4 = arith.constant 0 : i32
    %dma_start3A_5 = tpu.memref_slice %arg6[%dma_start3A_3, %dma_start3A_4] : memref<512x128xf32, #tpu.memory_space<vmem>> -> memref<128x128xf32, #tpu.memory_space<vmem>>
    %dma_start3A_6 = arith.constant 0 : i32
    %dma_start3A_7 = tpu.memref_slice %arg5[%dma_start3A, %dma_start3A_6] : memref<4x128xi32, #tpu.memory_space<vmem>> -> memref<1x128xi32, #tpu.memory_space<vmem>>
    %dma_start3A_8 = tpu.memref_squeeze %dma_start3A_7 : memref<1x128xi32, #tpu.memory_space<vmem>> -> memref<128xi32, #tpu.memory_space<vmem>>
    %dma_start3A_9 = arith.constant 0 : i32
    %dma_start3A_10 = arith.constant 0 : i32
    %dma_start3A_11 = tpu.memref_slice %arg3[%dma_start3A_9, %dma_start3A_10] : memref<20480x128xf32, #tpu.memory_space<hbm>> -> memref<20480x128xf32, #tpu.memory_space<hbm>>
    tpu.enqueue_indirect_dma source(%dma_start3A_11 : memref<20480x128xf32, #tpu.memory_space<hbm>>) target(%dma_start3A_5 : memref<128x128xf32, #tpu.memory_space<vmem>>) offsets(%dma_start3A_8 : memref<128xi32, #tpu.memory_space<vmem>>) semaphore(%arg7 : memref<!tpu.dma_semaphore, #tpu.memory_space<semaphore_mem>>)
    %dma_start3A_12 = arith.constant 1 : i32
    %dma_start3A_13 = arith.constant 128 : i32
    %dma_start3A_14 = arith.constant 0 : i32
    %dma_start3A_15 = tpu.memref_slice %arg6[%dma_start3A_13, %dma_start3A_14] : memref<512x128xf32, #tpu.memory_space<vmem>> -> memref<128x128xf32, #tpu.memory_space<vmem>>
    %dma_start3A_16 = arith.constant 0 : i32
    %dma_start3A_17 = tpu.memref_slice %arg5[%dma_start3A_12, %dma_start3A_16] : memref<4x128xi32, #tpu.memory_space<vmem>> -> memref<1x128xi32, #tpu.memory_space<vmem>>
    %dma_start3A_18 = tpu.memref_squeeze %dma_start3A_17 : memref<1x128xi32, #tpu.memory_space<vmem>> -> memref<128xi32, #tpu.memory_space<vmem>>
    %dma_start3A_19 = arith.constant 0 : i32
    %dma_start3A_20 = arith.constant 0 : i32
    %dma_start3A_21 = tpu.memref_slice %arg3[%dma_start3A_19, %dma_start3A_20] : memref<20480x128xf32, #tpu.memory_space<hbm>> -> memref<20480x128xf32, #tpu.memory_space<hbm>>
    tpu.enqueue_indirect_dma source(%dma_start3A_21 : memref<20480x128xf32, #tpu.memory_space<hbm>>) target(%dma_start3A_15 : memref<128x128xf32, #tpu.memory_space<vmem>>) offsets(%dma_start3A_18 : memref<128xi32, #tpu.memory_space<vmem>>) semaphore(%arg7 : memref<!tpu.dma_semaphore, #tpu.memory_space<semaphore_mem>>)
    %dma_start3A_22 = arith.constant 2 : i32
    %dma_start3A_23 = arith.constant 256 : i32
    %dma_start3A_24 = arith.constant 0 : i32
    %dma_start3A_25 = tpu.memref_slice %arg6[%dma_start3A_23, %dma_start3A_24] : memref<512x128xf32, #tpu.memory_space<vmem>> -> memref<128x128xf32, #tpu.memory_space<vmem>>
    %dma_start3A_26 = arith.constant 0 : i32
    %dma_start3A_27 = tpu.memref_slice %arg5[%dma_start3A_22, %dma_start3A_26] : memref<4x128xi32, #tpu.memory_space<vmem>> -> memref<1x128xi32, #tpu.memory_space<vmem>>
    %dma_start3A_28 = tpu.memref_squeeze %dma_start3A_27 : memref<1x128xi32, #tpu.memory_space<vmem>> -> memref<128xi32, #tpu.memory_space<vmem>>
    %dma_start3A_29 = arith.constant 0 : i32
    %dma_start3A_30 = arith.constant 0 : i32
    %dma_start3A_31 = tpu.memref_slice %arg3[%dma_start3A_29, %dma_start3A_30] : memref<20480x128xf32, #tpu.memory_space<hbm>> -> memref<20480x128xf32, #tpu.memory_space<hbm>>
    tpu.enqueue_indirect_dma source(%dma_start3A_31 : memref<20480x128xf32, #tpu.memory_space<hbm>>) target(%dma_start3A_25 : memref<128x128xf32, #tpu.memory_space<vmem>>) offsets(%dma_start3A_28 : memref<128xi32, #tpu.memory_space<vmem>>) semaphore(%arg7 : memref<!tpu.dma_semaphore, #tpu.memory_space<semaphore_mem>>)
    %dma_start3A_32 = arith.constant 3 : i32
    %dma_start3A_33 = arith.constant 384 : i32
    %dma_start3A_34 = arith.constant 0 : i32
    %dma_start3A_35 = tpu.memref_slice %arg6[%dma_start3A_33, %dma_start3A_34] : memref<512x128xf32, #tpu.memory_space<vmem>> -> memref<128x128xf32, #tpu.memory_space<vmem>>
    %dma_start3A_36 = arith.constant 0 : i32
    %dma_start3A_37 = tpu.memref_slice %arg5[%dma_start3A_32, %dma_start3A_36] : memref<4x128xi32, #tpu.memory_space<vmem>> -> memref<1x128xi32, #tpu.memory_space<vmem>>
    %dma_start3A_38 = tpu.memref_squeeze %dma_start3A_37 : memref<1x128xi32, #tpu.memory_space<vmem>> -> memref<128xi32, #tpu.memory_space<vmem>>
    %dma_start3A_39 = arith.constant 0 : i32
    %dma_start3A_40 = arith.constant 0 : i32
    %dma_start3A_41 = tpu.memref_slice %arg3[%dma_start3A_39, %dma_start3A_40] : memref<20480x128xf32, #tpu.memory_space<hbm>> -> memref<20480x128xf32, #tpu.memory_space<hbm>>
    tpu.enqueue_indirect_dma source(%dma_start3A_41 : memref<20480x128xf32, #tpu.memory_space<hbm>>) target(%dma_start3A_35 : memref<128x128xf32, #tpu.memory_space<vmem>>) offsets(%dma_start3A_38 : memref<128xi32, #tpu.memory_space<vmem>>) semaphore(%arg7 : memref<!tpu.dma_semaphore, #tpu.memory_space<semaphore_mem>>)
    %dma_wait3A = arith.constant 0 : i32
    %dma_wait3A_42 = arith.constant 0 : i32
    %dma_wait3A_43 = arith.constant 0 : i32
    %dma_wait3A_44 = tpu.memref_slice %arg6[%dma_wait3A_42, %dma_wait3A_43] : memref<512x128xf32, #tpu.memory_space<vmem>> -> memref<128x128xf32, #tpu.memory_space<vmem>>
    %dma_wait3A_45 = arith.constant 0 : i32
    %dma_wait3A_46 = tpu.memref_slice %arg5[%dma_wait3A, %dma_wait3A_45] : memref<4x128xi32, #tpu.memory_space<vmem>> -> memref<1x128xi32, #tpu.memory_space<vmem>>
    %dma_wait3A_47 = tpu.memref_squeeze %dma_wait3A_46 : memref<1x128xi32, #tpu.memory_space<vmem>> -> memref<128xi32, #tpu.memory_space<vmem>>
    %dma_wait3A_48 = arith.constant 0 : i32
    %dma_wait3A_49 = arith.constant 0 : i32
    %dma_wait3A_50 = tpu.memref_slice %arg3[%dma_wait3A_48, %dma_wait3A_49] : memref<20480x128xf32, #tpu.memory_space<hbm>> -> memref<20480x128xf32, #tpu.memory_space<hbm>>
    tpu.wait_indirect_dma semaphore(%arg7 : memref<!tpu.dma_semaphore, #tpu.memory_space<semaphore_mem>>) src(%dma_wait3A_50 : memref<20480x128xf32, #tpu.memory_space<hbm>>) dst(%dma_wait3A_44 : memref<128x128xf32, #tpu.memory_space<vmem>>)
    %dma_wait3A_51 = arith.constant 1 : i32
    %dma_wait3A_52 = arith.constant 128 : i32
    %dma_wait3A_53 = arith.constant 0 : i32
    %dma_wait3A_54 = tpu.memref_slice %arg6[%dma_wait3A_52, %dma_wait3A_53] : memref<512x128xf32, #tpu.memory_space<vmem>> -> memref<128x128xf32, #tpu.memory_space<vmem>>
    %dma_wait3A_55 = arith.constant 0 : i32
    %dma_wait3A_56 = tpu.memref_slice %arg5[%dma_wait3A_51, %dma_wait3A_55] : memref<4x128xi32, #tpu.memory_space<vmem>> -> memref<1x128xi32, #tpu.memory_space<vmem>>
    %dma_wait3A_57 = tpu.memref_squeeze %dma_wait3A_56 : memref<1x128xi32, #tpu.memory_space<vmem>> -> memref<128xi32, #tpu.memory_space<vmem>>
    %dma_wait3A_58 = arith.constant 0 : i32
    %dma_wait3A_59 = arith.constant 0 : i32
    %dma_wait3A_60 = tpu.memref_slice %arg3[%dma_wait3A_58, %dma_wait3A_59] : memref<20480x128xf32, #tpu.memory_space<hbm>> -> memref<20480x128xf32, #tpu.memory_space<hbm>>
    tpu.wait_indirect_dma semaphore(%arg7 : memref<!tpu.dma_semaphore, #tpu.memory_space<semaphore_mem>>) src(%dma_wait3A_60 : memref<20480x128xf32, #tpu.memory_space<hbm>>) dst(%dma_wait3A_54 : memref<128x128xf32, #tpu.memory_space<vmem>>)
    %dma_wait3A_61 = arith.constant 2 : i32
    %dma_wait3A_62 = arith.constant 256 : i32
    %dma_wait3A_63 = arith.constant 0 : i32
    %dma_wait3A_64 = tpu.memref_slice %arg6[%dma_wait3A_62, %dma_wait3A_63] : memref<512x128xf32, #tpu.memory_space<vmem>> -> memref<128x128xf32, #tpu.memory_space<vmem>>
    %dma_wait3A_65 = arith.constant 0 : i32
    %dma_wait3A_66 = tpu.memref_slice %arg5[%dma_wait3A_61, %dma_wait3A_65] : memref<4x128xi32, #tpu.memory_space<vmem>> -> memref<1x128xi32, #tpu.memory_space<vmem>>
    %dma_wait3A_67 = tpu.memref_squeeze %dma_wait3A_66 : memref<1x128xi32, #tpu.memory_space<vmem>> -> memref<128xi32, #tpu.memory_space<vmem>>
    %dma_wait3A_68 = arith.constant 0 : i32
    %dma_wait3A_69 = arith.constant 0 : i32
    %dma_wait3A_70 = tpu.memref_slice %arg3[%dma_wait3A_68, %dma_wait3A_69] : memref<20480x128xf32, #tpu.memory_space<hbm>> -> memref<20480x128xf32, #tpu.memory_space<hbm>>
    tpu.wait_indirect_dma semaphore(%arg7 : memref<!tpu.dma_semaphore, #tpu.memory_space<semaphore_mem>>) src(%dma_wait3A_70 : memref<20480x128xf32, #tpu.memory_space<hbm>>) dst(%dma_wait3A_64 : memref<128x128xf32, #tpu.memory_space<vmem>>)
    %dma_wait3A_71 = arith.constant 3 : i32
    %dma_wait3A_72 = arith.constant 384 : i32
    %dma_wait3A_73 = arith.constant 0 : i32
    %dma_wait3A_74 = tpu.memref_slice %arg6[%dma_wait3A_72, %dma_wait3A_73] : memref<512x128xf32, #tpu.memory_space<vmem>> -> memref<128x128xf32, #tpu.memory_space<vmem>>
    %dma_wait3A_75 = arith.constant 0 : i32
    %dma_wait3A_76 = tpu.memref_slice %arg5[%dma_wait3A_71, %dma_wait3A_75] : memref<4x128xi32, #tpu.memory_space<vmem>> -> memref<1x128xi32, #tpu.memory_space<vmem>>
    %dma_wait3A_77 = tpu.memref_squeeze %dma_wait3A_76 : memref<1x128xi32, #tpu.memory_space<vmem>> -> memref<128xi32, #tpu.memory_space<vmem>>
    %dma_wait3A_78 = arith.constant 0 : i32
    %dma_wait3A_79 = arith.constant 0 : i32
    %dma_wait3A_80 = tpu.memref_slice %arg3[%dma_wait3A_78, %dma_wait3A_79] : memref<20480x128xf32, #tpu.memory_space<hbm>> -> memref<20480x128xf32, #tpu.memory_space<hbm>>
    tpu.wait_indirect_dma semaphore(%arg7 : memref<!tpu.dma_semaphore, #tpu.memory_space<semaphore_mem>>) src(%dma_wait3A_80 : memref<20480x128xf32, #tpu.memory_space<hbm>>) dst(%dma_wait3A_74 : memref<128x128xf32, #tpu.memory_space<vmem>>)
    "tpu.region"() ({
      %run_scoped3A = tpu.sem_alloc : memref<!tpu.dma_semaphore, #tpu.memory_space<semaphore_mem>>
      %dma_start3A_81 = arith.constant 0 : i32
      %dma_start3A_82 = tpu.memref_slice %arg4[%mul3A_2, %dma_start3A_81] : memref<16384x128xf32, #tpu.memory_space<hbm>> -> memref<512x128xf32, #tpu.memory_space<hbm>>
      %dma_start3A_83 = arith.constant 0 : i32
      %dma_start3A_84 = tpu.memref_slice %arg4[%mul3A_2, %dma_start3A_83] : memref<16384x128xf32, #tpu.memory_space<hbm>> -> memref<512x128xf32, #tpu.memory_space<hbm>>
      tpu.enqueue_dma source(%arg6 : memref<512x128xf32, #tpu.memory_space<vmem>>) target(%dma_start3A_84 : memref<512x128xf32, #tpu.memory_space<hbm>>) target_semaphore(%run_scoped3A : memref<!tpu.dma_semaphore, #tpu.memory_space<semaphore_mem>>)
      %dma_wait3A_85 = arith.constant 0 : i32
      %dma_wait3A_86 = tpu.memref_slice %arg4[%mul3A_2, %dma_wait3A_85] : memref<16384x128xf32, #tpu.memory_space<hbm>> -> memref<512x128xf32, #tpu.memory_space<hbm>>
      %dma_wait3A_87 = arith.constant 0 : i32
      %dma_wait3A_88 = tpu.memref_slice %arg4[%mul3A_2, %dma_wait3A_87] : memref<16384x128xf32, #tpu.memory_space<hbm>> -> memref<512x128xf32, #tpu.memory_space<hbm>>
      tpu.wait_dma2 semaphore(%run_scoped3A : memref<!tpu.dma_semaphore, #tpu.memory_space<semaphore_mem>>) src(%arg6 : memref<512x128xf32, #tpu.memory_space<vmem>>) dst(%dma_wait3A_88 : memref<512x128xf32, #tpu.memory_space<hbm>>)
      tpu.yield
    }) : () -> ()
    return
  }
}

module attributes {stable_mosaic.version = 14 : i64} {
  func.func @_mlp_block(%arg0: i32, %arg1: memref<80xi32, #tpu.memory_space<smem>>, %arg2: memref<256x128xf32, #tpu.memory_space<vmem>>, %arg3: memref<256x128xf32, #tpu.memory_space<vmem>>, %arg4: memref<256x128xf32, #tpu.memory_space<vmem>>, %arg5: memref<9x128x128xbf16, #tpu.memory_space<vmem>>, %arg6: memref<9x128x128xbf16, #tpu.memory_space<vmem>>, %arg7: memref<9x128x128xbf16, #tpu.memory_space<vmem>>, %arg8: memref<9x128xf32, #tpu.memory_space<vmem>>, %arg9: memref<9x128x128xbf16, #tpu.memory_space<vmem>>, %arg10: memref<9x128xf32, #tpu.memory_space<vmem>>, %arg11: memref<9x128x128xbf16, #tpu.memory_space<vmem>>, %arg12: memref<9x128xf32, #tpu.memory_space<vmem>>, %arg13: memref<256x128xf32, #tpu.memory_space<vmem>>) attributes {dimension_semantics = [#tpu.dimension_semantics<arbitrary>], iteration_bounds = array<i64: 80>, scalar_prefetch = 1 : i64, scratch_operands = 0 : i64, tpu.core_type = #tpu.core_type<tc>, window_params = [{transform_indices = @transform_0, window_bounds = array<i64: 256, 128>}, {transform_indices = @transform_1, window_bounds = array<i64: 256, 128>}, {transform_indices = @transform_2, window_bounds = array<i64: 256, 128>}, {pipeline_mode = #tpu.pipeline_mode<synchronous>, transform_indices = @transform_3, window_bounds = array<i64: 9, 128, 128>}, {pipeline_mode = #tpu.pipeline_mode<synchronous>, transform_indices = @transform_4, window_bounds = array<i64: 9, 128, 128>}, {pipeline_mode = #tpu.pipeline_mode<synchronous>, transform_indices = @transform_5, window_bounds = array<i64: 9, 128, 128>}, {pipeline_mode = #tpu.pipeline_mode<synchronous>, transform_indices = @transform_6, window_bounds = array<i64: 9, 128>}, {pipeline_mode = #tpu.pipeline_mode<synchronous>, transform_indices = @transform_7, window_bounds = array<i64: 9, 128, 128>}, {pipeline_mode = #tpu.pipeline_mode<synchronous>, transform_indices = @transform_8, window_bounds = array<i64: 9, 128>}, {pipeline_mode = #tpu.pipeline_mode<synchronous>, transform_indices = @transform_9, window_bounds = array<i64: 9, 128, 128>}, {pipeline_mode = #tpu.pipeline_mode<synchronous>, transform_indices = @transform_10, window_bounds = array<i64: 9, 128>}, {transform_indices = @transform_11, window_bounds = array<i64: 256, 128>}]} {
    %get3A = arith.index_cast %arg0 : i32 to index
    %get3A_0 = memref.load %arg1[%get3A] : memref<80xi32, #tpu.memory_space<smem>>
    %get3A_1 = arith.constant 0 : index
    %get3A_2 = arith.constant 0 : index
    %get3A_3 = vector.load %arg2[%get3A_1, %get3A_2] : memref<256x128xf32, #tpu.memory_space<vmem>>, vector<256x128xf32>
    %convert_element_type3A = arith.truncf %get3A_3 : vector<256x128xf32> to vector<256x128xbf16>
    %get3A_4 = arith.constant 0 : index
    %get3A_5 = arith.constant 0 : index
    %get3A_6 = vector.load %arg3[%get3A_4, %get3A_5] : memref<256x128xf32, #tpu.memory_space<vmem>>, vector<256x128xf32>
    %convert_element_type3A_7 = arith.truncf %get3A_6 : vector<256x128xf32> to vector<256x128xbf16>
    %get3A_8 = arith.constant 0 : index
    %get3A_9 = arith.constant 0 : index
    %get3A_10 = vector.load %arg4[%get3A_8, %get3A_9] : memref<256x128xf32, #tpu.memory_space<vmem>>, vector<256x128xf32>
    %convert_element_type3A_11 = arith.truncf %get3A_10 : vector<256x128xf32> to vector<256x128xbf16>
    %get3A_12 = arith.index_cast %get3A_0 : i32 to index
    %get3A_13 = arith.constant 0 : index
    %get3A_14 = arith.constant 0 : index
    %get3A_15 = vector.load %arg5[%get3A_12, %get3A_13, %get3A_14] : memref<9x128x128xbf16, #tpu.memory_space<vmem>>, vector<1x128x128xbf16>
    %get3A_16 = vector.shape_cast %get3A_15 : vector<1x128x128xbf16> to vector<128x128xbf16>
    %dot_general3A = arith.constant dense<0.000000e+00> : vector<256x128xf32>
    %dot_general3A_17 = tpu.matmul %convert_element_type3A, %get3A_16, %dot_general3A {dimension_numbers = #tpu.dot_dimension_numbers<[1], [0], [0], [1], [0, 0, 1, 1], [], []>, transpose_lhs_hint = false} : vector<256x128xbf16>, vector<128x128xbf16>, vector<256x128xf32> -> vector<256x128xf32>
    %get3A_18 = arith.index_cast %get3A_0 : i32 to index
    %get3A_19 = arith.constant 0 : index
    %get3A_20 = arith.constant 0 : index
    %get3A_21 = vector.load %arg6[%get3A_18, %get3A_19, %get3A_20] : memref<9x128x128xbf16, #tpu.memory_space<vmem>>, vector<1x128x128xbf16>
    %get3A_22 = vector.shape_cast %get3A_21 : vector<1x128x128xbf16> to vector<128x128xbf16>
    %dot_general3A_23 = arith.constant dense<0.000000e+00> : vector<256x128xf32>
    %dot_general3A_24 = tpu.matmul %convert_element_type3A_7, %get3A_22, %dot_general3A_23 {dimension_numbers = #tpu.dot_dimension_numbers<[1], [0], [0], [1], [0, 0, 1, 1], [], []>, transpose_lhs_hint = false} : vector<256x128xbf16>, vector<128x128xbf16>, vector<256x128xf32> -> vector<256x128xf32>
    %add3A = arith.addf %dot_general3A_17, %dot_general3A_24 : vector<256x128xf32>
    %get3A_25 = arith.index_cast %get3A_0 : i32 to index
    %get3A_26 = arith.constant 0 : index
    %get3A_27 = arith.constant 0 : index
    %get3A_28 = vector.load %arg7[%get3A_25, %get3A_26, %get3A_27] : memref<9x128x128xbf16, #tpu.memory_space<vmem>>, vector<1x128x128xbf16>
    %get3A_29 = vector.shape_cast %get3A_28 : vector<1x128x128xbf16> to vector<128x128xbf16>
    %dot_general3A_30 = arith.constant dense<0.000000e+00> : vector<256x128xf32>
    %dot_general3A_31 = tpu.matmul %convert_element_type3A_11, %get3A_29, %dot_general3A_30 {dimension_numbers = #tpu.dot_dimension_numbers<[1], [0], [0], [1], [0, 0, 1, 1], [], []>, transpose_lhs_hint = false} : vector<256x128xbf16>, vector<128x128xbf16>, vector<256x128xf32> -> vector<256x128xf32>
    %add3A_32 = arith.addf %add3A, %dot_general3A_31 : vector<256x128xf32>
    %get3A_33 = arith.index_cast %get3A_0 : i32 to index
    %get3A_34 = arith.constant 0 : index
    %get3A_35 = vector.load %arg8[%get3A_33, %get3A_34] : memref<9x128xf32, #tpu.memory_space<vmem>>, vector<1x128xf32>
    %get3A_36 = vector.shape_cast %get3A_35 : vector<1x128xf32> to vector<128xf32>
    %broadcast_in_dim3A = vector.shape_cast %get3A_36 : vector<128xf32> to vector<1x128xf32>
    %add3A_37 = vector.broadcast %broadcast_in_dim3A : vector<1x128xf32> to vector<256x128xf32>
    %add3A_38 = arith.addf %add3A_32, %add3A_37 : vector<256x128xf32>
    %max3A = arith.constant 0.000000e+00 : f32
    %max3A_39 = vector.broadcast %max3A : f32 to vector<256x128xf32>
    %max3A_40 = arith.maximumf %add3A_38, %max3A_39 : vector<256x128xf32>
    %convert_element_type3A_41 = arith.truncf %max3A_40 : vector<256x128xf32> to vector<256x128xbf16>
    %get3A_42 = arith.index_cast %get3A_0 : i32 to index
    %get3A_43 = arith.constant 0 : index
    %get3A_44 = arith.constant 0 : index
    %get3A_45 = vector.load %arg9[%get3A_42, %get3A_43, %get3A_44] : memref<9x128x128xbf16, #tpu.memory_space<vmem>>, vector<1x128x128xbf16>
    %get3A_46 = vector.shape_cast %get3A_45 : vector<1x128x128xbf16> to vector<128x128xbf16>
    %dot_general3A_47 = arith.constant dense<0.000000e+00> : vector<256x128xf32>
    %dot_general3A_48 = tpu.matmul %convert_element_type3A_41, %get3A_46, %dot_general3A_47 {dimension_numbers = #tpu.dot_dimension_numbers<[1], [0], [0], [1], [0, 0, 1, 1], [], []>, transpose_lhs_hint = false} : vector<256x128xbf16>, vector<128x128xbf16>, vector<256x128xf32> -> vector<256x128xf32>
    %get3A_49 = arith.index_cast %get3A_0 : i32 to index
    %get3A_50 = arith.constant 0 : index
    %get3A_51 = vector.load %arg10[%get3A_49, %get3A_50] : memref<9x128xf32, #tpu.memory_space<vmem>>, vector<1x128xf32>
    %get3A_52 = vector.shape_cast %get3A_51 : vector<1x128xf32> to vector<128xf32>
    %broadcast_in_dim3A_53 = vector.shape_cast %get3A_52 : vector<128xf32> to vector<1x128xf32>
    %add3A_54 = vector.broadcast %broadcast_in_dim3A_53 : vector<1x128xf32> to vector<256x128xf32>
    %add3A_55 = arith.addf %dot_general3A_48, %add3A_54 : vector<256x128xf32>
    %max3A_56 = arith.constant 0.000000e+00 : f32
    %max3A_57 = vector.broadcast %max3A_56 : f32 to vector<256x128xf32>
    %max3A_58 = arith.maximumf %add3A_55, %max3A_57 : vector<256x128xf32>
    %convert_element_type3A_59 = arith.truncf %max3A_58 : vector<256x128xf32> to vector<256x128xbf16>
    %get3A_60 = arith.index_cast %get3A_0 : i32 to index
    %get3A_61 = arith.constant 0 : index
    %get3A_62 = arith.constant 0 : index
    %get3A_63 = vector.load %arg11[%get3A_60, %get3A_61, %get3A_62] : memref<9x128x128xbf16, #tpu.memory_space<vmem>>, vector<1x128x128xbf16>
    %get3A_64 = vector.shape_cast %get3A_63 : vector<1x128x128xbf16> to vector<128x128xbf16>
    %dot_general3A_65 = arith.constant dense<0.000000e+00> : vector<256x128xf32>
    %dot_general3A_66 = tpu.matmul %convert_element_type3A_59, %get3A_64, %dot_general3A_65 {dimension_numbers = #tpu.dot_dimension_numbers<[1], [0], [0], [1], [0, 0, 1, 1], [], []>, transpose_lhs_hint = false} : vector<256x128xbf16>, vector<128x128xbf16>, vector<256x128xf32> -> vector<256x128xf32>
    %get3A_67 = arith.index_cast %get3A_0 : i32 to index
    %get3A_68 = arith.constant 0 : index
    %get3A_69 = vector.load %arg12[%get3A_67, %get3A_68] : memref<9x128xf32, #tpu.memory_space<vmem>>, vector<1x128xf32>
    %get3A_70 = vector.shape_cast %get3A_69 : vector<1x128xf32> to vector<128xf32>
    %broadcast_in_dim3A_71 = vector.shape_cast %get3A_70 : vector<128xf32> to vector<1x128xf32>
    %add3A_72 = vector.broadcast %broadcast_in_dim3A_71 : vector<1x128xf32> to vector<256x128xf32>
    %add3A_73 = arith.addf %dot_general3A_66, %add3A_72 : vector<256x128xf32>
    %swap3A = arith.constant 0 : index
    %swap3A_74 = arith.constant 0 : index
    %swap3A_75 = vector.load %arg13[%swap3A, %swap3A_74] : memref<256x128xf32, #tpu.memory_space<vmem>>, vector<256x128xf32>
    tpu.vector_store %arg13[%swap3A, %swap3A_74], %add3A_73 {strides = array<i32>} : memref<256x128xf32, #tpu.memory_space<vmem>>, vector<256x128xf32>,
    return
  }
  func.func @transform_0(%arg0: i32, %arg1: memref<80xi32, #tpu.memory_space<smem>>) -> (i32, i32) {
    %c0_i32 = arith.constant 0 : i32
    %c0_i32_0 = arith.constant 0 : i32
    return %arg0, %c0_i32 : i32, i32
  }
  func.func @transform_1(%arg0: i32, %arg1: memref<80xi32, #tpu.memory_space<smem>>) -> (i32, i32) {
    %c0_i32 = arith.constant 0 : i32
    %c0_i32_0 = arith.constant 0 : i32
    return %arg0, %c0_i32 : i32, i32
  }
  func.func @transform_2(%arg0: i32, %arg1: memref<80xi32, #tpu.memory_space<smem>>) -> (i32, i32) {
    %c0_i32 = arith.constant 0 : i32
    %c0_i32_0 = arith.constant 0 : i32
    return %arg0, %c0_i32 : i32, i32
  }
  func.func @transform_3(%arg0: i32, %arg1: memref<80xi32, #tpu.memory_space<smem>>) -> (i32, i32, i32) {
    %c0_i32 = arith.constant 0 : i32
    %c0_i32_0 = arith.constant 0 : i32
    %c0_i32_1 = arith.constant 0 : i32
    %c0_i32_2 = arith.constant 0 : i32
    return %c0_i32, %c0_i32_0, %c0_i32_1 : i32, i32, i32
  }
  func.func @transform_4(%arg0: i32, %arg1: memref<80xi32, #tpu.memory_space<smem>>) -> (i32, i32, i32) {
    %c0_i32 = arith.constant 0 : i32
    %c0_i32_0 = arith.constant 0 : i32
    %c0_i32_1 = arith.constant 0 : i32
    %c0_i32_2 = arith.constant 0 : i32
    return %c0_i32, %c0_i32_0, %c0_i32_1 : i32, i32, i32
  }
  func.func @transform_5(%arg0: i32, %arg1: memref<80xi32, #tpu.memory_space<smem>>) -> (i32, i32, i32) {
    %c0_i32 = arith.constant 0 : i32
    %c0_i32_0 = arith.constant 0 : i32
    %c0_i32_1 = arith.constant 0 : i32
    %c0_i32_2 = arith.constant 0 : i32
    return %c0_i32, %c0_i32_0, %c0_i32_1 : i32, i32, i32
  }
  func.func @transform_6(%arg0: i32, %arg1: memref<80xi32, #tpu.memory_space<smem>>) -> (i32, i32) {
    %c0_i32 = arith.constant 0 : i32
    %c0_i32_0 = arith.constant 0 : i32
    %c0_i32_1 = arith.constant 0 : i32
    return %c0_i32, %c0_i32_0 : i32, i32
  }
  func.func @transform_7(%arg0: i32, %arg1: memref<80xi32, #tpu.memory_space<smem>>) -> (i32, i32, i32) {
    %c0_i32 = arith.constant 0 : i32
    %c0_i32_0 = arith.constant 0 : i32
    %c0_i32_1 = arith.constant 0 : i32
    %c0_i32_2 = arith.constant 0 : i32
    return %c0_i32, %c0_i32_0, %c0_i32_1 : i32, i32, i32
  }
  func.func @transform_8(%arg0: i32, %arg1: memref<80xi32, #tpu.memory_space<smem>>) -> (i32, i32) {
    %c0_i32 = arith.constant 0 : i32
    %c0_i32_0 = arith.constant 0 : i32
    %c0_i32_1 = arith.constant 0 : i32
    return %c0_i32, %c0_i32_0 : i32, i32
  }
  func.func @transform_9(%arg0: i32, %arg1: memref<80xi32, #tpu.memory_space<smem>>) -> (i32, i32, i32) {
    %c0_i32 = arith.constant 0 : i32
    %c0_i32_0 = arith.constant 0 : i32
    %c0_i32_1 = arith.constant 0 : i32
    %c0_i32_2 = arith.constant 0 : i32
    return %c0_i32, %c0_i32_0, %c0_i32_1 : i32, i32, i32
  }
  func.func @transform_10(%arg0: i32, %arg1: memref<80xi32, #tpu.memory_space<smem>>) -> (i32, i32) {
    %c0_i32 = arith.constant 0 : i32
    %c0_i32_0 = arith.constant 0 : i32
    %c0_i32_1 = arith.constant 0 : i32
    return %c0_i32, %c0_i32_0 : i32, i32
  }
  func.func @transform_11(%arg0: i32, %arg1: memref<80xi32, #tpu.memory_space<smem>>) -> (i32, i32) {
    %c0_i32 = arith.constant 0 : i32
    %c0_i32_0 = arith.constant 0 : i32
    return %arg0, %c0_i32 : i32, i32
  }
}

</mosaic_0001>

<sc_bundles>
// kernel: gather_offload_async_start
scs
__scs_entry_jumppad:
0x0: {  	(pc) =	sbr.rel $0x88, $3  }
0x1: {  	(tag) =	ssettag $0x0;
	lr =	simm.s32 $0x1  }
0x2: {  	[smem:$0x3F98] =	sst lr;
	_ =	strace $0xD0000000  }
0x3: {  	_ = 	snop  }
0x4: {  	_ = 	snop  }
0x5: {  	_ = 	snop  }
0x6: {  	_ = 	snop  }
0x7: {  	_ = 	snop  }
__scs_overlays_trampoline_lowered:
0x8: {  	[smem:$0x3FA7] =	sst s0  }
0x9: {  	[smem:$0x3FA8] =	sst s1  }
0xa: {  	[smem:$0x3FA9] =	sst s2  }
0xb: {  	[smem:$0x3FAA] =	sst s3  }
0xc: {  	[smem:$0x3FAB] =	sst s4  }
0xd: {  	[smem:$0x3FAC] =	sst s5  }
0xe: {  	[smem:$0x3FAD] =	sst s6  }
0xf: {  	[smem:$0x3FAE] =	sst s7  }
0x10: {  	[smem:$0x3FAF] =	sst s8  }
0x11: {  	[smem:$0x3FB0] =	sst s9;
	s0 =	simm.s32 @!p0 $0x0  }
0x12: {  	s1 =	sld [smem:$0x3F96];
	s0 =	simm.s32 @p0 $0x1  }
0x13: {  	[smem:$0x3FB1] =	sst s0;
	s0 =	simm.s32 @!p1 $0x0  }
0x14: {  	s2 =	sld [smem:$0x3F95];
	s0 =	simm.s32 @p1 $0x1  }
0x15: {  	[smem:$0x3FB2] =	sst s0;
	s0 =	simm.s32 @!p2 $0x0  }
0x16: {  	s3 =	sld [smem:$0x3FDB];
	s0 =	simm.s32 @p2 $0x1  }
0x17: {  	s4 =	simm.s32 $0x1BF5;
	[smem:$0x3FB4] =	sst s0  }
0x18: {  	s0 =	sld [smem:$0x3F97];
	_ =	swait.ge [sflag:s4], $0x0  }
0x19: {  	s7 =	sld [smem:$0x3F98]  }
0x1a: {  	s8 =	sadd.s32 $0xFFFFE003, lr  }
0x1b: {  	s9 =	sadd.s32 $0xFFFFFEF7, lr;
	s5 =	simm.s32 $0xFFFFFFFF;
	p2 =	slt.u32 s8, $0xFFFFF086  }
0x1c: {  	p1 =	slt.u32 s9, $0xF7A;
	s5 =	simm.s32 @!p2 $0x0  }
0x1d: {  	s5 =	simm.s32 @p1 $0x1;
	p0 =	seq.s32 s7, s2  }
0x1e: {  	s7 =	smul.u32 @!p0 $0xF7A, s2;
	p2 =	seq.s32 @!p0 s5, $0x0  }
0x1f: {  	s9 =	smul.u32 $0xF7A, s1;
	s8 =	simm.s32 @!p0 $0x1BF5;
	p2 =	por !p2, p0  }
0x20: {  	[sflag:s8] =	ssyncset.s32 @!p0 $0xFFFFF086;
	s6 =	sadd.s32 @!p0 s3, s7;
	s7 =	simm.s32 @!p0 $0x108  }
0x21: {  	s3 =	sadd.s32 s3, s9;
	s6 =	sadd.s32 @!p0 $0x88, s6;
	s7 =	simm.s32 @p2 $0x1082  }
0x22: {  	[simem:s7], [sflag:s8] =	dma.local @!p0 [hbm:s6], $0xF7A  }
0x23: {  	s9 =	sor.u32 $0xD0000000, s2;
	s6 =	simm.s32 $0x108;
	_ =	swait.ge @!p0 [sflag:s8], $0x0  }
0x24: {  	s3 =	sadd.s32 $0x88, s3;
	s6 =	simm.s32 @!p1 $0x1082;
	[sflag:s4] =	ssyncset.s32 $0xFFFFF086  }
0x25: {  	[simem:s6], [sflag:s4] =	dma.local [hbm:s3], $0xF7A  }
0x26: {  	[smem:$0x3F98] =	sst s1;
	(tag) =	ssettag s2;
	_ =	strace s9  }
0x27: {  	s1 =	sld [smem:$0x3FA8]  }
0x28: {  	s2 =	sld [smem:$0x3FA9]  }
0x29: {  	s4 =	sld [smem:$0x3FAB]  }
0x2a: {  	p0 =	seq.s32 s5, $0x0;
	s5 =	sld [smem:$0x3FAC]  }
0x2b: {  	s6 =	sld [smem:$0x3FAD]  }
0x2c: {  	s7 =	sld [smem:$0x3FAE]  }
0x2d: {  	s3 =	simm.s32 $0x108;
	s8 =	sld [smem:$0x3FAF]  }
0x2e: {  	s3 =	simm.s32 @!p0 $0x1082;
	s9 =	sld [smem:$0x3FB0]  }
0x2f: {  	lr =	sadd.s32 s0, s3;
	s0 =	sld [smem:$0x3FA7]  }
0x30: {  	s3 =	sld [smem:$0x3FAA]  }
0x31: {  	[smem:$0x3FB3] =	sst s10  }
0x32: {  	s10 =	sld [smem:$0x3FB1];
	_ =	sdelay $0x3  }
0x33: {  	p0 =	seq.s32 s10, $0x1;
	s10 =	sld [smem:$0x3FB3];
	_ =	sdelay $0x3  }
0x34: {  	[smem:$0x3FB3] =	sst s10  }
0x35: {  	s10 =	sld [smem:$0x3FB2];
	_ =	sdelay $0x3  }
0x36: {  	p1 =	seq.s32 s10, $0x1;
	s10 =	sld [smem:$0x3FB3];
	_ =	sdelay $0x3  }
0x37: {  	[smem:$0x3FB3] =	sst s10  }
0x38: {  	s10 =	sld [smem:$0x3FB4]  }
0x39: {  	_ = 	snop;
	(pc) =	sbr.ind lr, $3  }
0x3a: {  	_ = 	snop  }
0x3b: {  	_ = 	snop  }
0x3c: {  	p2 =	seq.s32 s10, $0x1;
	s10 =	sld [smem:$0x3FB3]  }
0x3d: {  	_ =	shalt  }
0x3e: {  	_ =	shalt  }
0x3f: {  	_ =	shalt  }
0x40: {  	_ =	shalt  }
0x41: {  	_ =	shalt  }
0x42: {  	_ =	shalt  }
0x43: {  	_ =	shalt  }
0x44: {  	_ =	shalt  }
0x45: {  	_ =	shalt  }
0x46: {  	_ =	shalt  }
0x47: {  	_ =	shalt  }
0x48: {  	_ =	shalt  }
0x49: {  	_ =	shalt  }
0x4a: {  	_ =	shalt  }
0x4b: {  	_ =	shalt  }
0x4c: {  	_ =	shalt  }
0x4d: {  	_ =	shalt  }
0x4e: {  	_ =	shalt  }
0x4f: {  	_ =	shalt  }
0x50: {  	_ =	shalt  }
0x51: {  	_ =	shalt  }
0x52: {  	_ =	shalt  }
0x53: {  	_ =	shalt  }
0x54: {  	_ =	shalt  }
0x55: {  	_ =	shalt  }
0x56: {  	_ =	shalt  }
0x57: {  	_ =	shalt  }
0x58: {  	_ =	shalt  }
0x59: {  	_ =	shalt  }
0x5a: {  	_ =	shalt  }
0x5b: {  	_ =	shalt  }
0x5c: {  	_ =	shalt  }
0x5d: {  	_ =	shalt  }
0x5e: {  	_ =	shalt  }
0x5f: {  	_ =	shalt  }
0x60: {  	_ =	shalt  }
0x61: {  	_ =	shalt  }
0x62: {  	_ =	shalt  }
0x63: {  	_ =	shalt  }
0x64: {  	_ =	shalt  }
0x65: {  	_ =	shalt  }
0x66: {  	_ =	shalt  }
0x67: {  	_ =	shalt  }
0x68: {  	_ =	shalt  }
0x69: {  	_ =	shalt  }
0x6a: {  	_ =	shalt  }
0x6b: {  	_ =	shalt  }
0x6c: {  	_ =	shalt  }
0x6d: {  	_ =	shalt  }
0x6e: {  	_ =	shalt  }
0x6f: {  	_ =	shalt  }
0x70: {  	_ =	shalt  }
0x71: {  	_ =	shalt  }
0x72: {  	_ =	shalt  }
0x73: {  	_ =	shalt  }
0x74: {  	_ =	shalt  }
0x75: {  	_ =	shalt  }
0x76: {  	_ =	shalt  }
0x77: {  	_ =	shalt  }
0x78: {  	_ =	shalt  }
0x79: {  	_ =	shalt  }
0x7a: {  	_ =	shalt  }
0x7b: {  	_ =	shalt  }
0x7c: {  	_ =	shalt  }
0x7d: {  	_ =	shalt  }
0x7e: {  	_ =	shalt  }
0x7f: {  	_ =	shalt  }
0x80: {  	_ =	shalt  }
0x81: {  	_ =	shalt  }
0x82: {  	_ =	shalt  }
0x83: {  	_ =	shalt  }
0x84: {  	_ =	shalt  }
0x85: {  	_ =	shalt  }
0x86: {  	_ =	shalt  }
0x87: {  	_ =	shalt  }
.Lfunc_end0:
.L_simem_size_0:
called_computation_lowered:
.L_overlay_start_0:
0x88: {  	s2 =	sld [smem:$0x3FD9]  }
0x89: {  	s3 =	sld [smem:$0x3FFE];
	_ =	sdelay $0x1  }
0x8a: {  	s1 =	srdreg.scid  }
0x8b: {  	s0 =	sand.u32 $0x1, s1  }
0x8c: {  	s17 =	sshll.u32 s0, $0xA;
	s2 =	sadd.s32 s3, s2  }
0x8d: {  	s2 =	sadd.s32 s2, s17  }
0x8e: {  	[smem:$0x3FBF] =	sst s2  }
0x8f: {  	_ = 	snop  }
0x90: {  	s2 =	sld [smem:$0x3FD0];
	(tm) =	ssettm $0x1  }
0x91: {  	s18 =	sld [smem:$0x3FFB];
	_ =	sdelay $0x3  }
0x92: {  	_ =	strace s18  }
0x93: {  	s3 =	sld [smem:$0x3FFC];
	_ =	sdelay $0x3  }
0x94: {  	_ =	strace s3  }
0x95: {  	s3 =	sld [smem:$0x3FFD];
	_ =	sdelay $0x3  }
0x96: {  	_ =	strace s3  }
0x97: {  	_ =	strace $0x8FFFFFFF  }
0x98: {  	s19 =	sld [smem:$0x3FDB];
	_ =	sdelay $0x1  }
0x99: {  	s4 =	simm.s32 $_scs_section_size  }
0x9a: {  	s5 =	simm.s32 $_size__tile_overlayer_lowered;
	s6 =	simm.s32 $_tile_overlayer_lowered  }
0x9b: {  	s22 =	simm.s32 $0x1BFF;
	s21 =	sshll.u32 s6, $0x1;
	s3 =	sadd.s32 s4, s19  }
0x9c: {  	s7 =	simm.s32 $0x0;
	s20 =	sshll.u32 s5, $0x1;
	s5 =	sadd.s32 s21, s3  }
0x9d: {  	[timem:s7], [sflag:s22] =	dma.local [hbm:s5], s20  }
0x9e: {  	_ =	swait.ge [sflag:s22], s20  }
0x9f: {  	s4 =	ssub.s32 $0x0, s20;
	[sflag:s22] =	ssyncset.done $0x0  }
0xa0: {  	[sflag:s22] =	ssyncadd.s32 s4;
	_ =	sdelay $0x1  }
0xa1: {  	s23 =	simm.s32 $0x1B8B  }
0xa2: {  	_ =	swait.ge [sflag:s23], $0x1  }
0xa3: {  	[sflag:s23] =	ssyncset.done $0x0  }
0xa4: {  	s25 =	simm.s32 $0x1B8E;
	s24 =	sld [smem:$0x3FFE];
	[sflag:s23] =	ssyncadd.s32 $0xFFFFFFFF  }
0xa5: {  	s26 =	simm.s32 $execute0_lowered;
	[smem:$0x3FD2] =	sst s25  }
0xa6: {  	s5 =	sshll.u32 s26, $0x1;
	_ =	strace $0x80000046;
	[dreg:$0x1] =	wrdreg $0xFFFFFFFF  }
0xa7: {  	s28 =	simm.s32 $_size_execute0_lowered;
	s3 =	sadd.s32 s3, s5;
	[dreg:$0x0] =	wrdreg $0x0  }
0xa8: {  	s5 =	sshll.u32 s28, $0x1;
	[dreg:$0x2] =	wrdreg s3  }
0xa9: {  	[dreg:$0x3] =	wrdreg s5  }
0xaa: {  	[dreg:$0x4] =	wrdreg $0xC0  }
0xab: {  	_ =	task [dreg:s7], $0x5FFFF  }
0xac: {  	[dreg:$0x1] =	wrdreg $0xFFFFFFFF  }
0xad: {  	[dreg:$0x0] =	wrdreg $0x60  }
0xae: {  	[dreg:$0x2] =	wrdreg s2  }
0xaf: {  	[dreg:$0x3] =	wrdreg s24  }
0xb0: {  	[dreg:$0x4] =	wrdreg $0x9  }
0xb1: {  	_ =	task.clear_ibuf [dreg:s7], $0x5FFFF;
	_ =	strace $0x90000046  }
0xb2: {  	s29 =	simm.s32 $0x9;
	_ =	strace $0x80000048  }
0xb3: {  	_ =	swait.ge [sflag:s29], $0x1  }
0xb4: {  	[sflag:s29] =	ssyncadd.s32 $0xFFFFFFFF  }
0xb5: {  	_ =	strace $0x90000048  }
0xb6: {  	_ =	sfence  }
0xb7: {  	s30 =	sld [smem:$0x0];
	_ =	sdelay $0x2  }
0xb8: {  	s31 =	sshll.u32 s1, $0xD;
	s1 =	sshrl.u32 s1, $0x2  }
0xb9: {  	s3 =	sand.u32 $0x4000, s31;
	s1 =	sadd.s32 s1, s30  }
0xba: {  	s0 =	sor.u32 s3, s0;
	s1 =	sshll.u32 s1, $0x11  }
0xbb: {  	s0 =	sor.u32 s1, s0  }
0xbc: {  	s0 =	sadd.s32 $0x8F2B, s0  }
0xbd: {  	[sflag:s0] =	ssyncadd.remote.s32 $0x1  }
0xbe: {  	_ =	sfence.sel $0xFFFF  }
0xbf: {  	[dreg:$0x0] =	wrdreg $0xFFFFFFFF;
	(pc) =	sbr.abs _section_cstart, $3  }
0xc0: {  	[dreg:$0x1] =	wrdreg $0xFFFFFFFF  }
0xc1: {  	_ =	task.clear_ibuf [dreg:s7], $0x2FFFF;
	_ =	strace $0x9FFFFFFF  }
0xc2: {  	(tm) =	ssettm $0x7FFFFFFF  }
0xc3: {  	_ =	shalt  }
tec
execute0_lowered:
.L_overlay_start_1:
0x0: {  	(tag) =	ssettag $0x1  }
0x1: {  	s1 =	srdreg.scid;
	s2 =	rddreg [dreg:$0x0]  }
0x2: {  	s0 =	stileid.u32;
	s5 =	rddreg [dreg:$0x1];
	s6 =	simm.s32 $0x1  }
0x3: {  	s9 =	simm.s32 $0x1;
	s10 =	simm.s32 $0x3;
	s1 =	sshll.u32 s1, $0x8  }
0x4: {  	s13 =	simm.s32 $0x0;
	s3 =	sshll.u32 s0, $0x9;
	s4 =	sand.u32 $0x100, s1  }
0x5: {  	s12 =	simm.s32 $0x0;
	s1 =	rddreg [dreg:$0x2];
	s3 =	sor.u32 s3, s4  }
0x6: {  	_ =	strace $0x80000047;
	s4 =	sadd.s32 $0x200, s5;
	s8 =	ssub.s32 $0x4000, s3  }
.Ltmp0:
0x7: {  	s5 =	sadd.s32 $0x1A00, s5;
	s7 =	sand.u32 $0x1F00, s8;
	(pc) =	sbr.rel .LBB2_1-.Ltmp0, $4  }
0x8: {  	[sflag:s6] =	ssyncpa.u1 $0x0;
	s11 =	smov.u32 s3;
	p0 =	sne.s32 s7, $0x0  }
0x9: {  	s8 =	sshrl.u32 s8, $0xD;
	s7 =	simm.s32 $0x2;
	s9 =	simm.s32 @!p0 $0x0  }
0xa: {  	[sflag:s7] =	ssyncpa.u1 $0x0;
	p0 =	por $0x0, $0x0;
	s8 =	sadd.s32 s9, s8  }
0xb: {  	vm0 =	vmmov $0xffff;
	[sflag:s10] =	ssyncpa.u1 $0x0;
	s10 =	simm.s32 $0x0;
	s9 =	sadd.s32 $0x1, s8  }
.LBB2_4:
0xc: {  	vm1 =	veq.s32 v0, $0x80000000;
	v63 =	vand.u32 $0x3FFF, v0;
	v2 =	vand.u32 $0xF, v2  }
0xd: {  	v0 =	vsel vm1, $0xFFFFFFFF, v63;
	v2 =	vsel vm1, $0xFFFFFFFF, v2  }
0xe: {  	v3 =	vshll.u32 v2, $0xE;
	v4 =	vshll.u32 v0, $0x3  }
0xf: {  	v2 =	vshll.u32 v2, $0x7;
	v3 =	vand.u32 $0xFFFE0000, v3;
	v4 =	vand.u32 $0xFFFFFC00, v4  }
0x10: {  	v2 =	vand.u32 $0x380, v2;
	v3 =	vadd.s32 v4, v3  }
0x11: {  	v0 =	vand.u32 $0x7F, v0;
	v2 =	vor.u32 v2, v3  }
0x12: {  	v0 =	vor.u32 v0, v2;
	_ =	sdelay $0x1  }
0x13: {  	(ifvalue) =	ssetifvalue $0x7FFFFFFF;
	s14 =	sadd.s32 $0x10, s14  }
0x14: {  	[tilespmem:s14], [sflag:$0x1] =	stream.indirect_vreg.gather [hbm4b:s2+s10], $0x1, v1, vm0, $0x4038;
	[tilespmem:$0x400] =	vst v63  }
0x15: {  	(ifvalue) =	ssetifvalue $0x7FFFFFFF;
	s14 =	sadd.s32 $0x10, s14  }
0x16: {  	[tilespmem:s14], [sflag:$0x1] =	stream.indirect_vreg.gather [hbm4b:s2+s10], $0x1, v0, vm0, $0x4038;
	[tilespmem:$0x400] =	vst v63  }
0x17: {  	_ =	swait.ge [sflag:s6], $0x100  }
0x18: {  	s30 =	sshrl.u32 s13, $0x3;
	[sflag:s6] =	ssyncset.done $0x0  }
0x19: {  	s31 =	sand.u32 $0x7, s13;
	s14 =	sadd.s32 s5, s30;
	[sflag:s6] =	ssyncadd.s32 $0xFFFFFF00  }
0x1a: {  	[hbm4b:s14+s31] =	stream.linear.scatter [tilespmem:s15], [sflag:$0x3], $0x100, $0x38;
	[tilespmem:$0x400] =	vst v63  }
.LBB2_5:
0x1b: {  	s15 =	sadd.s32 $0x2000, s11  }
0x1c: {  	p2 =	sgt.s32 s15, $0x3FFF  }
0x1d: {  	s15 =	smov.u32 @p2 s3;
	p2 =	sne.s32 s12, s9  }
.Ltmp1:
0x1e: {  	p1 =	slt.u32 s12, $0x2;
	(pc) =	sbr.rel @!p2 .LBB2_6-.Ltmp1, $4  }
0x1f: {  	s14 =	simm.s32 @!p1 $0x3  }
0x20: {  	s16 =	sadd.s32 $0x1, s12;
	_ =	swait.ge @!p1 [sflag:s14], $0x100  }
0x21: {  	s13 =	smov.u32 s11;
	p0 =	por !p0, !p0;
	[sflag:s14] =	ssyncset.done @!p1 $0x0  }
0x22: {  	s12 =	smov.u32 s16;
	s11 =	smov.u32 s15;
	[sflag:s14] =	ssyncadd.s32 @!p1 $0xFFFFFF00  }
.LBB2_1:
0x23: {  	p1 =	sge.u32 s12, s8  }
0x24: {  	s14 =	sxor.u32 @!p1 $0xFFFFFFFF, s12  }
0x25: {  	s31 =	sadd.s32 $0xFFFFFFFF, s12;
	s15 =	sshrl.u32 @!p1 s11, $0x3;
	s14 =	sshll.u32 @!p1 s14, $0x8  }
0x26: {  	s16 =	sand.u32 @!p1 $0x7, s11;
	s15 =	sadd.s32 @!p1 s4, s15;
	s14 =	sand.u32 @!p1 $0x100, s14  }
0x27: {  	[tilespmem:s14], [sflag:$0x2] =	stream.linear.gather @!p1 [hbm4b:s15+s16], $0x100, $0x38;
	[tilespmem:$0x400] =	vst v63  }
0x28: {  	p1 =	sge.u32 s31, s8  }
.Ltmp2:
0x29: {  	_ = 	snop;
	(pc) =	sbr.rel @p1 .LBB2_5-.Ltmp2, $1  }
0x2a: {  	_ =	sdelay $0x3  }
0x2b: {  	s14 =	simm.s32 $0x1  }
0x2c: {  	_ =	swait.ge [sflag:s7], $0x100;
	s14 =	simm.s32 @!p0 $0x0  }
0x2d: {  	[sflag:s7] =	ssyncset.done $0x0;
	s14 =	sshll.u32 s14, $0x8  }
0x2e: {  	[sflag:s7] =	ssyncadd.s32 $0xFFFFFF00;
	(ifvalue) =	ssetifvalue $0x7FFFFFFF;
	v0 =	vld.msk [tilespmem:s14+$0x0 ss:$0x1], $0xffff;
	_ =	sdelay $0x4  }
0x2f: {  	s15 =	sadd.s32 $0x10, s14;
	v1 =	vshrl.u32 v0, $0xE  }
0x30: {  	v2 =	vld.msk [tilespmem:s15+$0x0 ss:$0x1], $0xffff;
	vm1 =	veq.s32 v0, $0x80000000;
	v0 =	vand.u32 $0x3FFF, v0;
	v1 =	vand.u32 $0xF, v1  }
0x31: {  	v0 =	vsel vm1, $0xFFFFFFFF, v0;
	v1 =	vsel vm1, $0xFFFFFFFF, v1  }
0x32: {  	v4 =	vshll.u32 v0, $0x3;
	v3 =	vshll.u32 v1, $0xE  }
0x33: {  	v4 =	vand.u32 $0xFFFFFC00, v4;
	v1 =	vshll.u32 v1, $0x7;
	v3 =	vand.u32 $0xFFFE0000, v3  }
0x34: {  	v0 =	vand.u32 $0x7F, v0;
	v1 =	vand.u32 $0x380, v1;
	v3 =	vadd.s32 v4, v3  }
0x35: {  	vm1 =	veq.s32 v2, $0x80000000;
	v1 =	vor.u32 v1, v3;
	v3 =	vshrl.u32 v2, $0xE  }
0x36: {  	s17 =	sadd.s32 $0x10, s15;
	v2 =	vand.u32 $0x3FFF, v2;
	v1 =	vor.u32 v0, v1;
	v3 =	vand.u32 $0xF, v3  }
0x37: {  	v0 =	vld.msk [tilespmem:s17+$0x0 ss:$0x1], $0xffff;
	v2 =	vsel vm1, $0xFFFFFFFF, v2;
	v3 =	vsel vm1, $0xFFFFFFFF, v3  }
0x38: {  	v5 =	vshll.u32 v2, $0x3;
	v63 =	vshll.u32 v3, $0xE  }
0x39: {  	s31 =	sshll.u32 s12, $0x8;
	v5 =	vand.u32 $0xFFFFFC00, v5;
	v3 =	vshll.u32 v3, $0x7;
	v4 =	vand.u32 $0xFFFE0000, v63  }
0x3a: {  	s14 =	sor.u32 $0x200, s14;
	s15 =	sand.u32 $0x100, s31;
	(ifvalue) =	ssetifvalue $0x7FFFFFFF;
	v3 =	vand.u32 $0x380, v3;
	v4 =	vadd.s32 v5, v4  }
0x3b: {  	[tilespmem:s14], [sflag:$0x1] =	stream.indirect_vreg.gather [hbm4b:s2+s10], $0x1, v1, vm0, $0x4038;
	v1 =	vand.u32 $0x7F, v2;
	v3 =	vor.u32 v3, v4;
	[tilespmem:$0x400] =	vst v63  }
0x3c: {  	s16 =	simm.s32 $0x20;
	s15 =	sor.u32 $0x200, s15;
	s17 =	sadd.s32 $0x10, s17;
	v2 =	vshrl.u32 v0, $0xE;
	v1 =	vor.u32 v1, v3  }
.LBB2_3:
0x3d: {  	s16 =	sadd.s32 $0x10, s16;
	vm1 =	veq.s32 v0, $0x80000000;
	v3 =	vand.u32 $0x3FFF, v0;
	v0 =	vld.msk [tilespmem:s17+$0x0 ss:$0x1], $0xffff;
	v2 =	vand.u32 $0xF, v2  }
0x3e: {  	p1 =	slt.u32 s16, $0xF0;
	v3 =	vsel vm1, $0xFFFFFFFF, v3;
	v2 =	vsel vm1, $0xFFFFFFFF, v2  }
.Ltmp3:
0x3f: {  	v4 =	vshll.u32 v2, $0xE;
	v5 =	vshll.u32 v3, $0x3;
	(pc) =	sbr.rel @p1 .LBB2_3-.Ltmp3, $4  }
0x40: {  	s14 =	sadd.s32 $0x10, s14;
	v2 =	vshll.u32 v2, $0x7;
	v4 =	vand.u32 $0xFFFE0000, v4;
	v5 =	vand.u32 $0xFFFFFC00, v5;
	(ifvalue) =	ssetifvalue $0x7FFFFFFF  }
0x41: {  	v2 =	vand.u32 $0x380, v2;
	v4 =	vadd.s32 v5, v4;
	[tilespmem:s14], [sflag:$0x1] =	stream.indirect_vreg.gather [hbm4b:s2+s10], $0x1, v1, vm0, $0x4038;
	[tilespmem:$0x400] =	vst v63  }
0x42: {  	v1 =	vand.u32 $0x7F, v3;
	v3 =	vor.u32 v2, v4  }
0x43: {  	s17 =	sadd.s32 $0x10, s17;
	v2 =	vshrl.u32 v0, $0xE;
	v1 =	vor.u32 v1, v3  }
.Ltmp4:
0x44: {  	_ = 	snop;
	(pc) =	sbr.rel .LBB2_4-.Ltmp4, $1  }
0x45: {  	_ =	sdelay $0x3  }
.LBB2_6:
0x46: {  	_ =	sfence.sel $0x180000  }
0x47: {  	s2 =	simm.s32 $0x2;
	[bflag:$0x0] =	sbarrier.arrive $0xFFFF  }
0x48: {  	s30 =	simm.s32 $0x3;
	[sflag:s2] =	ssyncpa.u1 $0x1  }
0x49: {  	s31 =	simm.s32 $0x1;
	[sflag:s30] =	ssyncpa.u1 $0x1  }
0x4a: {  	[sflag:s31] =	ssyncpa.u1 $0x1  }
0x4b: {  	p0 =	sne.s32 s0, $0x0;
	_ =	strace $0x90000047  }
0x4c: {  	s0 =	sadd.s32 @!p0 $0x100000, s1;
	[bflag:$0x2] =	sbarrier.arrive $0xFFFF  }
0x4d: {  	[sflag:s0] =	ssyncadd.tile.s32 @!p0 $0x1;
	_ =	shalt  }
.Lfunc_end2:
_tile_overlayer_lowered:
.L_overlay_start_2:
0x4e: {  	(tag) =	ssettag $0x2  }
0x4f: {  	s0 =	rddreg [dreg:$0x0];
	s2 =	stileid.u32  }
0x50: {  	s1 =	rddreg [dreg:$0x1];
	p0 =	sne.s32 s2, $0x0  }
0x51: {  	s3 =	rddreg [dreg:$0x2];
	[bflag:$0x3] =	sbarrier.arrive $0xFFFF;
	s2 =	simm.s32 @!p0 $0x1C01  }
0x52: {  	[timem:s3], [sflag:s2] =	dma.local @!p0 [hbm:s0], s1  }
0x53: {  	s0 =	simm.s32 @!p0 $0x1  }
0x54: {  	_ =	swait.ge @!p0 [sflag:s0], s1  }
0x55: {  	s1 =	ssub.s32 @!p0 $0x0, s1;
	[sflag:s0] =	ssyncset.done @!p0 $0x0  }
0x56: {  	[sflag:s0] =	ssyncadd.s32 @!p0 s1  }
0x57: {  	[bflag:$0x3] =	sbarrier.arrive $0xFFFF  }
0x58: {  	_ =	shalt  }

// kernel: kernel.5.cloned.1.call-start
scs
__scs_entry_jumppad:
0x0: {  	(pc) =	sbr.rel $0x88, $3  }
0x1: {  	(tag) =	ssettag $0x0;
	lr =	simm.s32 $0x1  }
0x2: {  	[smem:$0x3F98] =	sst lr;
	_ =	strace $0xD0000000  }
0x3: {  	_ = 	snop  }
0x4: {  	_ = 	snop  }
0x5: {  	_ = 	snop  }
0x6: {  	_ = 	snop  }
0x7: {  	_ = 	snop  }
__scs_overlays_trampoline_lowered:
0x8: {  	[smem:$0x3FA7] =	sst s0  }
0x9: {  	[smem:$0x3FA8] =	sst s1  }
0xa: {  	[smem:$0x3FA9] =	sst s2  }
0xb: {  	[smem:$0x3FAA] =	sst s3  }
0xc: {  	[smem:$0x3FAB] =	sst s4  }
0xd: {  	[smem:$0x3FAC] =	sst s5  }
0xe: {  	[smem:$0x3FAD] =	sst s6  }
0xf: {  	[smem:$0x3FAE] =	sst s7  }
0x10: {  	[smem:$0x3FAF] =	sst s8  }
0x11: {  	[smem:$0x3FB0] =	sst s9;
	s0 =	simm.s32 @!p0 $0x0  }
0x12: {  	s1 =	sld [smem:$0x3F96];
	s0 =	simm.s32 @p0 $0x1  }
0x13: {  	[smem:$0x3FB1] =	sst s0;
	s0 =	simm.s32 @!p1 $0x0  }
0x14: {  	s2 =	sld [smem:$0x3F95];
	s0 =	simm.s32 @p1 $0x1  }
0x15: {  	[smem:$0x3FB2] =	sst s0;
	s0 =	simm.s32 @!p2 $0x0  }
0x16: {  	s3 =	sld [smem:$0x3FDB];
	s0 =	simm.s32 @p2 $0x1  }
0x17: {  	s4 =	simm.s32 $0x1BF5;
	[smem:$0x3FB4] =	sst s0  }
0x18: {  	s0 =	sld [smem:$0x3F97];
	_ =	swait.ge [sflag:s4], $0x0  }
0x19: {  	s7 =	sld [smem:$0x3F98]  }
0x1a: {  	s8 =	sadd.s32 $0xFFFFE003, lr  }
0x1b: {  	s9 =	sadd.s32 $0xFFFFFEF7, lr;
	s5 =	simm.s32 $0xFFFFFFFF;
	p2 =	slt.u32 s8, $0xFFFFF086  }
0x1c: {  	p1 =	slt.u32 s9, $0xF7A;
	s5 =	simm.s32 @!p2 $0x0  }
0x1d: {  	s5 =	simm.s32 @p1 $0x1;
	p0 =	seq.s32 s7, s2  }
0x1e: {  	s7 =	smul.u32 @!p0 $0xF7A, s2;
	p2 =	seq.s32 @!p0 s5, $0x0  }
0x1f: {  	s9 =	smul.u32 $0xF7A, s1;
	s8 =	simm.s32 @!p0 $0x1BF5;
	p2 =	por !p2, p0  }
0x20: {  	[sflag:s8] =	ssyncset.s32 @!p0 $0xFFFFF086;
	s6 =	sadd.s32 @!p0 s3, s7;
	s7 =	simm.s32 @!p0 $0x108  }
0x21: {  	s3 =	sadd.s32 s3, s9;
	s6 =	sadd.s32 @!p0 $0x88, s6;
	s7 =	simm.s32 @p2 $0x1082  }
0x22: {  	[simem:s7], [sflag:s8] =	dma.local @!p0 [hbm:s6], $0xF7A  }
0x23: {  	s9 =	sor.u32 $0xD0000000, s2;
	s6 =	simm.s32 $0x108;
	_ =	swait.ge @!p0 [sflag:s8], $0x0  }
0x24: {  	s3 =	sadd.s32 $0x88, s3;
	s6 =	simm.s32 @!p1 $0x1082;
	[sflag:s4] =	ssyncset.s32 $0xFFFFF086  }
0x25: {  	[simem:s6], [sflag:s4] =	dma.local [hbm:s3], $0xF7A  }
0x26: {  	[smem:$0x3F98] =	sst s1;
	(tag) =	ssettag s2;
	_ =	strace s9  }
0x27: {  	s1 =	sld [smem:$0x3FA8]  }
0x28: {  	s2 =	sld [smem:$0x3FA9]  }
0x29: {  	s4 =	sld [smem:$0x3FAB]  }
0x2a: {  	p0 =	seq.s32 s5, $0x0;
	s5 =	sld [smem:$0x3FAC]  }
0x2b: {  	s6 =	sld [smem:$0x3FAD]  }
0x2c: {  	s7 =	sld [smem:$0x3FAE]  }
0x2d: {  	s3 =	simm.s32 $0x108;
	s8 =	sld [smem:$0x3FAF]  }
0x2e: {  	s3 =	simm.s32 @!p0 $0x1082;
	s9 =	sld [smem:$0x3FB0]  }
0x2f: {  	lr =	sadd.s32 s0, s3;
	s0 =	sld [smem:$0x3FA7]  }
0x30: {  	s3 =	sld [smem:$0x3FAA]  }
0x31: {  	[smem:$0x3FB3] =	sst s10  }
0x32: {  	s10 =	sld [smem:$0x3FB1];
	_ =	sdelay $0x3  }
0x33: {  	p0 =	seq.s32 s10, $0x1;
	s10 =	sld [smem:$0x3FB3];
	_ =	sdelay $0x3  }
0x34: {  	[smem:$0x3FB3] =	sst s10  }
0x35: {  	s10 =	sld [smem:$0x3FB2];
	_ =	sdelay $0x3  }
0x36: {  	p1 =	seq.s32 s10, $0x1;
	s10 =	sld [smem:$0x3FB3];
	_ =	sdelay $0x3  }
0x37: {  	[smem:$0x3FB3] =	sst s10  }
0x38: {  	s10 =	sld [smem:$0x3FB4]  }
0x39: {  	_ = 	snop;
	(pc) =	sbr.ind lr, $3  }
0x3a: {  	_ = 	snop  }
0x3b: {  	_ = 	snop  }
0x3c: {  	p2 =	seq.s32 s10, $0x1;
	s10 =	sld [smem:$0x3FB3]  }
0x3d: {  	_ =	shalt  }
0x3e: {  	_ =	shalt  }
0x3f: {  	_ =	shalt  }
0x40: {  	_ =	shalt  }
0x41: {  	_ =	shalt  }
0x42: {  	_ =	shalt  }
0x43: {  	_ =	shalt  }
0x44: {  	_ =	shalt  }
0x45: {  	_ =	shalt  }
0x46: {  	_ =	shalt  }
0x47: {  	_ =	shalt  }
0x48: {  	_ =	shalt  }
0x49: {  	_ =	shalt  }
0x4a: {  	_ =	shalt  }
0x4b: {  	_ =	shalt  }
0x4c: {  	_ =	shalt  }
0x4d: {  	_ =	shalt  }
0x4e: {  	_ =	shalt  }
0x4f: {  	_ =	shalt  }
0x50: {  	_ =	shalt  }
0x51: {  	_ =	shalt  }
0x52: {  	_ =	shalt  }
0x53: {  	_ =	shalt  }
0x54: {  	_ =	shalt  }
0x55: {  	_ =	shalt  }
0x56: {  	_ =	shalt  }
0x57: {  	_ =	shalt  }
0x58: {  	_ =	shalt  }
0x59: {  	_ =	shalt  }
0x5a: {  	_ =	shalt  }
0x5b: {  	_ =	shalt  }
0x5c: {  	_ =	shalt  }
0x5d: {  	_ =	shalt  }
0x5e: {  	_ =	shalt  }
0x5f: {  	_ =	shalt  }
0x60: {  	_ =	shalt  }
0x61: {  	_ =	shalt  }
0x62: {  	_ =	shalt  }
0x63: {  	_ =	shalt  }
0x64: {  	_ =	shalt  }
0x65: {  	_ =	shalt  }
0x66: {  	_ =	shalt  }
0x67: {  	_ =	shalt  }
0x68: {  	_ =	shalt  }
0x69: {  	_ =	shalt  }
0x6a: {  	_ =	shalt  }
0x6b: {  	_ =	shalt  }
0x6c: {  	_ =	shalt  }
0x6d: {  	_ =	shalt  }
0x6e: {  	_ =	shalt  }
0x6f: {  	_ =	shalt  }
0x70: {  	_ =	shalt  }
0x71: {  	_ =	shalt  }
0x72: {  	_ =	shalt  }
0x73: {  	_ =	shalt  }
0x74: {  	_ =	shalt  }
0x75: {  	_ =	shalt  }
0x76: {  	_ =	shalt  }
0x77: {  	_ =	shalt  }
0x78: {  	_ =	shalt  }
0x79: {  	_ =	shalt  }
0x7a: {  	_ =	shalt  }
0x7b: {  	_ =	shalt  }
0x7c: {  	_ =	shalt  }
0x7d: {  	_ =	shalt  }
0x7e: {  	_ =	shalt  }
0x7f: {  	_ =	shalt  }
0x80: {  	_ =	shalt  }
0x81: {  	_ =	shalt  }
0x82: {  	_ =	shalt  }
0x83: {  	_ =	shalt  }
0x84: {  	_ =	shalt  }
0x85: {  	_ =	shalt  }
0x86: {  	_ =	shalt  }
0x87: {  	_ =	shalt  }
.Lfunc_end0:
.L_simem_size_0:
called_computation.1_lowered:
.L_overlay_start_0:
0x88: {  	s2 =	sld [smem:$0x3FD9]  }
0x89: {  	s3 =	sld [smem:$0x3FFE];
	_ =	sdelay $0x1  }
0x8a: {  	s1 =	srdreg.scid  }
0x8b: {  	s0 =	sand.u32 $0x1, s1  }
0x8c: {  	s17 =	sshll.u32 s0, $0xA;
	s2 =	sadd.s32 s3, s2  }
0x8d: {  	s2 =	sadd.s32 s2, s17  }
0x8e: {  	[smem:$0x3FBF] =	sst s2  }
0x8f: {  	_ = 	snop  }
0x90: {  	s2 =	sld [smem:$0x3FC8]  }
0x91: {  	s18 =	sld [smem:$0x3FC7]  }
0x92: {  	s4 =	sld [smem:$0x3FD0];
	(tm) =	ssettm $0x1  }
0x93: {  	s5 =	sld [smem:$0x3FFB];
	_ =	sdelay $0x3  }
0x94: {  	_ =	strace s5  }
0x95: {  	s5 =	sld [smem:$0x3FFC];
	_ =	sdelay $0x3  }
0x96: {  	_ =	strace s5  }
0x97: {  	s5 =	sld [smem:$0x3FFD];
	_ =	sdelay $0x3  }
0x98: {  	_ =	strace s5  }
0x99: {  	_ =	strace $0x8FFFFFFF  }
0x9a: {  	s19 =	sld [smem:$0x3FDB];
	_ =	sdelay $0x1  }
0x9b: {  	s6 =	simm.s32 $_scs_section_size  }
0x9c: {  	s7 =	simm.s32 $_size__tile_overlayer_lowered;
	s8 =	simm.s32 $_tile_overlayer_lowered  }
0x9d: {  	s22 =	simm.s32 $0x1BFF;
	s21 =	sshll.u32 s8, $0x1;
	s5 =	sadd.s32 s6, s19  }
0x9e: {  	s9 =	simm.s32 $0x0;
	s20 =	sshll.u32 s7, $0x1;
	s7 =	sadd.s32 s21, s5  }
0x9f: {  	[timem:s9], [sflag:s22] =	dma.local [hbm:s7], s20  }
0xa0: {  	_ =	swait.ge [sflag:s22], s20  }
0xa1: {  	s6 =	ssub.s32 $0x0, s20;
	[sflag:s22] =	ssyncset.done $0x0  }
0xa2: {  	[sflag:s22] =	ssyncadd.s32 s6;
	_ =	sdelay $0x1  }
0xa3: {  	s23 =	simm.s32 $0x1B8B  }
0xa4: {  	_ =	swait.ge [sflag:s23], $0x1  }
0xa5: {  	[sflag:s23] =	ssyncset.done $0x0  }
0xa6: {  	s25 =	simm.s32 $0x1B8E;
	s24 =	sld [smem:$0x3FFE];
	[sflag:s23] =	ssyncadd.s32 $0xFFFFFFFF  }
0xa7: {  	s26 =	simm.s32 $execute0_lowered;
	[smem:$0x3FD2] =	sst s25  }
0xa8: {  	s7 =	sshll.u32 s26, $0x1;
	_ =	strace $0x80000049;
	[dreg:$0x1] =	wrdreg $0xFFFFFFFF  }
0xa9: {  	s28 =	simm.s32 $_size_execute0_lowered;
	s5 =	sadd.s32 s5, s7;
	[dreg:$0x0] =	wrdreg $0x0  }
0xaa: {  	s7 =	sshll.u32 s28, $0x1;
	[dreg:$0x2] =	wrdreg s5  }
0xab: {  	[dreg:$0x3] =	wrdreg s7  }
0xac: {  	[dreg:$0x4] =	wrdreg $0xC0  }
0xad: {  	_ =	task [dreg:s9], $0x5FFFF  }
0xae: {  	[dreg:$0x1] =	wrdreg $0xFFFFFFFF  }
0xaf: {  	[dreg:$0x0] =	wrdreg $0x60  }
0xb0: {  	[dreg:$0x2] =	wrdreg s4  }
0xb1: {  	[dreg:$0x3] =	wrdreg s24  }
0xb2: {  	[dreg:$0x4] =	wrdreg s2  }
0xb3: {  	[dreg:$0x5] =	wrdreg s18  }
0xb4: {  	[dreg:$0x6] =	wrdreg $0x9  }
0xb5: {  	_ =	task.clear_ibuf [dreg:s9], $0x7FFFF;
	_ =	strace $0x90000049  }
0xb6: {  	s29 =	simm.s32 $0x9;
	_ =	strace $0x8000004B  }
0xb7: {  	_ =	swait.ge [sflag:s29], $0x1  }
0xb8: {  	[sflag:s29] =	ssyncadd.s32 $0xFFFFFFFF  }
0xb9: {  	_ =	strace $0x9000004B  }
0xba: {  	_ =	sfence  }
0xbb: {  	s30 =	sld [smem:$0x0];
	_ =	sdelay $0x2  }
0xbc: {  	s31 =	sshll.u32 s1, $0xD;
	s1 =	sshrl.u32 s1, $0x2  }
0xbd: {  	s3 =	sand.u32 $0x4000, s31;
	s1 =	sadd.s32 s1, s30  }
0xbe: {  	s0 =	sor.u32 s3, s0;
	s1 =	sshll.u32 s1, $0x11  }
0xbf: {  	s0 =	sor.u32 s1, s0  }
0xc0: {  	s0 =	sadd.s32 $0x8F2B, s0  }
0xc1: {  	[sflag:s0] =	ssyncadd.remote.s32 $0x1  }
0xc2: {  	_ =	sfence.sel $0xFFFF  }
0xc3: {  	[dreg:$0x0] =	wrdreg $0xFFFFFFFF;
	(pc) =	sbr.abs _section_cstart, $3  }
0xc4: {  	[dreg:$0x1] =	wrdreg $0xFFFFFFFF  }
0xc5: {  	_ =	task.clear_ibuf [dreg:s9], $0x2FFFF;
	_ =	strace $0x9FFFFFFF  }
0xc6: {  	(tm) =	ssettm $0x7FFFFFFF  }
0xc7: {  	_ =	shalt  }
tec
execute0_lowered:
.L_overlay_start_1:
0x0: {  	(tag) =	ssettag $0x1  }
0x1: {  	s3 =	rddreg [dreg:$0x0]  }
0x2: {  	s18 =	rddreg [dreg:$0x1];
	s1 =	srdreg.scid  }
0x3: {  	s15 =	rddreg [dreg:$0x2];
	s0 =	stileid.u32;
	s19 =	sand.u32 $0x1, s1  }
0x4: {  	s17 =	rddreg [dreg:$0x3];
	s4 =	sshll.u32 s0, $0xA;
	s5 =	sshll.u32 s19, $0x9  }
0x5: {  	s2 =	simm.s32 $0x0;
	s1 =	rddreg [dreg:$0x4];
	s5 =	sor.u32 s5, s4  }
0x6: {  	[smem:$0x7FF] =	sst s2;
	s4 =	sshrl.u32 s5, $0x3  }
0x7: {  	_ =	strace $0x8000004A;
	s3 =	sadd.s32 s3, s4;
	s4 =	simm.s32 $0x2  }
0x8: {  	[tilespmem:s2], [sflag:$0x2] =	stream.linear.gather [hbm4b:s3+s2], $0x200, $0x38;
	[tilespmem:$0x10200] =	vst v63  }
0x9: {  	s20 =	sshll.u32 s5, $0x4;
	_ =	swait.ge [sflag:s4], $0x200  }
0xa: {  	s5 =	sadd.s32 s20, s18;
	[sflag:s4] =	ssyncset.done $0x0  }
0xb: {  	s6 =	simm.s32 $0x200;
	s5 =	sadd.s32 $0x2200, s5;
	[sflag:s4] =	ssyncadd.s32 $0xFFFFFE00  }
0xc: {  	[tilespmem:s6], [sflag:$0x2] =	stream.linear.gather [hbm4b:s5+s2], $0x10000, $0x38;
	[tilespmem:$0x10200] =	vst v63  }
0xd: {  	_ =	swait.ge [sflag:s4], $0x10000  }
0xe: {  	[sflag:s4] =	ssyncset.done $0x0  }
0xf: {  	s8 =	simm.s32 $0x80;
	s7 =	sadd.s32 $0x42200, s18;
	[sflag:s4] =	ssyncadd.s32 $0xFFFF0000  }
0x10: {  	[hbm4b:s7+s8] =	stream.indirect.scatter [tilespmem:s6], [sflag:$0x1], $0x80, s2, s8, $0xb8;
	[tilespmem:$0x10200] =	vst v63  }
0x11: {  	s9 =	simm.s32 $0x4200  }
0x12: {  	[hbm4b:s7+s8] =	stream.indirect.scatter [tilespmem:s9], [sflag:$0x1], $0x80, s8, s8, $0xb8;
	[tilespmem:$0x10200] =	vst v63  }
0x13: {  	s10 =	simm.s32 $0x100;
	s11 =	simm.s32 $0x8200  }
0x14: {  	[hbm4b:s7+s8] =	stream.indirect.scatter [tilespmem:s11], [sflag:$0x1], $0x80, s10, s8, $0xb8;
	[tilespmem:$0x10200] =	vst v63  }
0x15: {  	s12 =	simm.s32 $0x180;
	s14 =	simm.s32 $0xC200;
	s13 =	simm.s32 $0x1  }
0x16: {  	[hbm4b:s7+s8] =	stream.indirect.scatter [tilespmem:s14], [sflag:$0x1], $0x80, s12, s8, $0xb8;
	[tilespmem:$0x10200] =	vst v63  }
0x17: {  	_ =	swait.ge [sflag:s13], $0x4000  }
0x18: {  	[sflag:s13] =	ssyncset.done $0x0  }
0x19: {  	[sflag:s13] =	ssyncadd.s32 $0xFFFFC000  }
0x1a: {  	_ =	swait.ge [sflag:s13], $0x4000  }
0x1b: {  	[sflag:s13] =	ssyncset.done $0x0  }
0x1c: {  	[sflag:s13] =	ssyncadd.s32 $0xFFFFC000  }
0x1d: {  	_ =	swait.ge [sflag:s13], $0x4000  }
0x1e: {  	[sflag:s13] =	ssyncset.done $0x0  }
0x1f: {  	[sflag:s13] =	ssyncadd.s32 $0xFFFFC000  }
0x20: {  	_ =	swait.ge [sflag:s13], $0x4000  }
0x21: {  	[sflag:s13] =	ssyncset.done $0x0  }
0x22: {  	s15 =	sadd.s32 s15, s20;
	[sflag:s13] =	ssyncadd.s32 $0xFFFFC000  }
0x23: {  	[tilespmem:s6], [sflag:$0x2] =	stream.linear.gather [hbm4b:s15+s2], $0x10000, $0x38;
	[tilespmem:$0x10200] =	vst v63  }
0x24: {  	_ =	swait.ge [sflag:s4], $0x10000  }
0x25: {  	[sflag:s4] =	ssyncset.done $0x0  }
0x26: {  	s16 =	sadd.s32 $0x92200, s18;
	[sflag:s4] =	ssyncadd.s32 $0xFFFF0000  }
0x27: {  	[hbm4b:s16+s8] =	stream.indirect.scatter [tilespmem:s6], [sflag:$0x1], $0x80, s2, s8, $0xb8;
	[tilespmem:$0x10200] =	vst v63  }
0x28: {  	_ = 	snop  }
0x29: {  	[hbm4b:s16+s8] =	stream.indirect.scatter [tilespmem:s9], [sflag:$0x1], $0x80, s8, s8, $0xb8;
	[tilespmem:$0x10200] =	vst v63  }
0x2a: {  	_ = 	snop  }
0x2b: {  	[hbm4b:s16+s8] =	stream.indirect.scatter [tilespmem:s11], [sflag:$0x1], $0x80, s10, s8, $0xb8;
	[tilespmem:$0x10200] =	vst v63  }
0x2c: {  	_ = 	snop  }
0x2d: {  	[hbm4b:s16+s8] =	stream.indirect.scatter [tilespmem:s14], [sflag:$0x1], $0x80, s12, s8, $0xb8;
	[tilespmem:$0x10200] =	vst v63  }
0x2e: {  	_ =	swait.ge [sflag:s13], $0x4000  }
0x2f: {  	[sflag:s13] =	ssyncset.done $0x0  }
0x30: {  	[sflag:s13] =	ssyncadd.s32 $0xFFFFC000  }
0x31: {  	_ =	swait.ge [sflag:s13], $0x4000  }
0x32: {  	[sflag:s13] =	ssyncset.done $0x0  }
0x33: {  	[sflag:s13] =	ssyncadd.s32 $0xFFFFC000  }
0x34: {  	_ =	swait.ge [sflag:s13], $0x4000  }
0x35: {  	[sflag:s13] =	ssyncset.done $0x0  }
0x36: {  	[sflag:s13] =	ssyncadd.s32 $0xFFFFC000  }
0x37: {  	_ =	swait.ge [sflag:s13], $0x4000  }
0x38: {  	[sflag:s13] =	ssyncset.done $0x0  }
0x39: {  	s17 =	sadd.s32 s17, s20;
	[sflag:s13] =	ssyncadd.s32 $0xFFFFC000  }
0x3a: {  	[tilespmem:s6], [sflag:$0x2] =	stream.linear.gather [hbm4b:s17+s2], $0x10000, $0x38;
	[tilespmem:$0x10200] =	vst v63  }
0x3b: {  	_ =	swait.ge [sflag:s4], $0x10000  }
0x3c: {  	[sflag:s4] =	ssyncset.done $0x0  }
0x3d: {  	s18 =	sadd.s32 $0xE2200, s18;
	[sflag:s4] =	ssyncadd.s32 $0xFFFF0000  }
0x3e: {  	[hbm4b:s18+s8] =	stream.indirect.scatter [tilespmem:s6], [sflag:$0x1], $0x80, s2, s8, $0xb8;
	[tilespmem:$0x10200] =	vst v63  }
0x3f: {  	_ = 	snop  }
0x40: {  	[hbm4b:s18+s8] =	stream.indirect.scatter [tilespmem:s9], [sflag:$0x1], $0x80, s8, s8, $0xb8;
	[tilespmem:$0x10200] =	vst v63  }
0x41: {  	_ = 	snop  }
0x42: {  	[hbm4b:s18+s8] =	stream.indirect.scatter [tilespmem:s11], [sflag:$0x1], $0x80, s10, s8, $0xb8;
	[tilespmem:$0x10200] =	vst v63  }
0x43: {  	_ = 	snop  }
0x44: {  	[hbm4b:s18+s8] =	stream.indirect.scatter [tilespmem:s14], [sflag:$0x1], $0x80, s12, s8, $0xb8;
	[tilespmem:$0x10200] =	vst v63  }
0x45: {  	_ =	swait.ge [sflag:s13], $0x4000  }
0x46: {  	s19 =	ssub.s32 $0x2, s19;
	[sflag:s13] =	ssyncset.done $0x0  }
0x47: {  	s31 =	sshrl.u32 s19, $0x1;
	[sflag:s13] =	ssyncadd.s32 $0xFFFFC000  }
0x48: {  	s19 =	ssub.s32 s19, s31;
	_ =	swait.ge [sflag:s13], $0x4000  }
0x49: {  	s19 =	smax.u32 s19, $0x1;
	[sflag:s13] =	ssyncset.done $0x0  }
0x4a: {  	p0 =	sne.s32 s19, $0x1;
	[sflag:s13] =	ssyncadd.s32 $0xFFFFC000  }
.Ltmp0:
0x4b: {  	_ =	swait.ge [sflag:s13], $0x4000;
	(pc) =	sbr.rel @!p0 .LBB2_2-.Ltmp0, $4  }
0x4c: {  	[sflag:s13] =	ssyncset.done $0x0  }
0x4d: {  	[sflag:s13] =	ssyncadd.s32 $0xFFFFC000  }
0x4e: {  	_ =	swait.ge [sflag:s13], $0x4000  }
0x4f: {  	s19 =	sadd.s32 $0xFFFFFFFF, s19;
	[sflag:s13] =	ssyncset.done $0x0  }
.LBB2_1:
0x50: {  	p0 =	sne.s32 s19, $0x1;
	s19 =	sadd.s32 $0xFFFFFFFF, s19;
	[sflag:s13] =	ssyncadd.s32 $0xFFFFC000  }
0x51: {  	[tilespmem:s2], [sflag:$0x2] =	stream.linear.gather [hbm4b:s3+s2], $0x200, $0x38;
	[tilespmem:$0x10200] =	vst v63  }
0x52: {  	_ =	swait.ge [sflag:s4], $0x200  }
0x53: {  	[sflag:s4] =	ssyncset.done $0x0  }
0x54: {  	[sflag:s4] =	ssyncadd.s32 $0xFFFFFE00  }
0x55: {  	[tilespmem:s6], [sflag:$0x2] =	stream.linear.gather [hbm4b:s5+s2], $0x10000, $0x38;
	[tilespmem:$0x10200] =	vst v63  }
0x56: {  	_ =	swait.ge [sflag:s4], $0x10000  }
0x57: {  	[sflag:s4] =	ssyncset.done $0x0  }
0x58: {  	[sflag:s4] =	ssyncadd.s32 $0xFFFF0000  }
0x59: {  	[hbm4b:s7+s8] =	stream.indirect.scatter [tilespmem:s6], [sflag:$0x1], $0x80, s2, s8, $0xb8;
	[tilespmem:$0x10200] =	vst v63  }
0x5a: {  	_ = 	snop  }
0x5b: {  	[hbm4b:s7+s8] =	stream.indirect.scatter [tilespmem:s9], [sflag:$0x1], $0x80, s8, s8, $0xb8;
	[tilespmem:$0x10200] =	vst v63  }
0x5c: {  	_ = 	snop  }
0x5d: {  	[hbm4b:s7+s8] =	stream.indirect.scatter [tilespmem:s11], [sflag:$0x1], $0x80, s10, s8, $0xb8;
	[tilespmem:$0x10200] =	vst v63  }
0x5e: {  	_ = 	snop  }
0x5f: {  	[hbm4b:s7+s8] =	stream.indirect.scatter [tilespmem:s14], [sflag:$0x1], $0x80, s12, s8, $0xb8;
	[tilespmem:$0x10200] =	vst v63  }
0x60: {  	_ =	swait.ge [sflag:s13], $0x4000  }
0x61: {  	[sflag:s13] =	ssyncset.done $0x0  }
0x62: {  	[sflag:s13] =	ssyncadd.s32 $0xFFFFC000  }
0x63: {  	_ =	swait.ge [sflag:s13], $0x4000  }
0x64: {  	[sflag:s13] =	ssyncset.done $0x0  }
0x65: {  	[sflag:s13] =	ssyncadd.s32 $0xFFFFC000  }
0x66: {  	_ =	swait.ge [sflag:s13], $0x4000  }
0x67: {  	[sflag:s13] =	ssyncset.done $0x0  }
0x68: {  	[sflag:s13] =	ssyncadd.s32 $0xFFFFC000  }
0x69: {  	_ =	swait.ge [sflag:s13], $0x4000  }
0x6a: {  	[sflag:s13] =	ssyncset.done $0x0  }
0x6b: {  	[sflag:s13] =	ssyncadd.s32 $0xFFFFC000  }
0x6c: {  	[tilespmem:s6], [sflag:$0x2] =	stream.linear.gather [hbm4b:s15+s2], $0x10000, $0x38;
	[tilespmem:$0x10200] =	vst v63  }
0x6d: {  	_ =	swait.ge [sflag:s4], $0x10000  }
0x6e: {  	[sflag:s4] =	ssyncset.done $0x0  }
0x6f: {  	[sflag:s4] =	ssyncadd.s32 $0xFFFF0000  }
0x70: {  	[hbm4b:s16+s8] =	stream.indirect.scatter [tilespmem:s6], [sflag:$0x1], $0x80, s2, s8, $0xb8;
	[tilespmem:$0x10200] =	vst v63  }
0x71: {  	_ = 	snop  }
0x72: {  	[hbm4b:s16+s8] =	stream.indirect.scatter [tilespmem:s9], [sflag:$0x1], $0x80, s8, s8, $0xb8;
	[tilespmem:$0x10200] =	vst v63  }
0x73: {  	_ = 	snop  }
0x74: {  	[hbm4b:s16+s8] =	stream.indirect.scatter [tilespmem:s11], [sflag:$0x1], $0x80, s10, s8, $0xb8;
	[tilespmem:$0x10200] =	vst v63  }
0x75: {  	_ = 	snop  }
0x76: {  	[hbm4b:s16+s8] =	stream.indirect.scatter [tilespmem:s14], [sflag:$0x1], $0x80, s12, s8, $0xb8;
	[tilespmem:$0x10200] =	vst v63  }
0x77: {  	_ =	swait.ge [sflag:s13], $0x4000  }
0x78: {  	[sflag:s13] =	ssyncset.done $0x0  }
0x79: {  	[sflag:s13] =	ssyncadd.s32 $0xFFFFC000  }
0x7a: {  	_ =	swait.ge [sflag:s13], $0x4000  }
0x7b: {  	[sflag:s13] =	ssyncset.done $0x0  }
0x7c: {  	[sflag:s13] =	ssyncadd.s32 $0xFFFFC000  }
0x7d: {  	_ =	swait.ge [sflag:s13], $0x4000  }
0x7e: {  	[sflag:s13] =	ssyncset.done $0x0  }
0x7f: {  	[sflag:s13] =	ssyncadd.s32 $0xFFFFC000  }
0x80: {  	_ =	swait.ge [sflag:s13], $0x4000  }
0x81: {  	[sflag:s13] =	ssyncset.done $0x0  }
0x82: {  	[sflag:s13] =	ssyncadd.s32 $0xFFFFC000  }
0x83: {  	[tilespmem:s6], [sflag:$0x2] =	stream.linear.gather [hbm4b:s17+s2], $0x10000, $0x38;
	[tilespmem:$0x10200] =	vst v63  }
0x84: {  	_ =	swait.ge [sflag:s4], $0x10000  }
0x85: {  	[sflag:s4] =	ssyncset.done $0x0  }
0x86: {  	[sflag:s4] =	ssyncadd.s32 $0xFFFF0000  }
0x87: {  	[hbm4b:s18+s8] =	stream.indirect.scatter [tilespmem:s6], [sflag:$0x1], $0x80, s2, s8, $0xb8;
	[tilespmem:$0x10200] =	vst v63  }
0x88: {  	_ = 	snop  }
0x89: {  	[hbm4b:s18+s8] =	stream.indirect.scatter [tilespmem:s9], [sflag:$0x1], $0x80, s8, s8, $0xb8;
	[tilespmem:$0x10200] =	vst v63  }
0x8a: {  	_ = 	snop  }
0x8b: {  	[hbm4b:s18+s8] =	stream.indirect.scatter [tilespmem:s11], [sflag:$0x1], $0x80, s10, s8, $0xb8;
	[tilespmem:$0x10200] =	vst v63  }
0x8c: {  	_ = 	snop  }
0x8d: {  	[hbm4b:s18+s8] =	stream.indirect.scatter [tilespmem:s14], [sflag:$0x1], $0x80, s12, s8, $0xb8;
	[tilespmem:$0x10200] =	vst v63  }
0x8e: {  	_ =	swait.ge [sflag:s13], $0x4000  }
0x8f: {  	[sflag:s13] =	ssyncset.done $0x0  }
0x90: {  	[sflag:s13] =	ssyncadd.s32 $0xFFFFC000  }
0x91: {  	_ =	swait.ge [sflag:s13], $0x4000  }
0x92: {  	[sflag:s13] =	ssyncset.done $0x0  }
0x93: {  	[sflag:s13] =	ssyncadd.s32 $0xFFFFC000  }
.Ltmp1:
0x94: {  	_ =	swait.ge [sflag:s13], $0x4000;
	(pc) =	sbr.rel @p0 .LBB2_1-.Ltmp1, $4  }
0x95: {  	[sflag:s13] =	ssyncset.done $0x0  }
0x96: {  	[sflag:s13] =	ssyncadd.s32 $0xFFFFC000  }
0x97: {  	_ =	swait.ge [sflag:s13], $0x4000  }
0x98: {  	[sflag:s13] =	ssyncset.done $0x0  }
.LBB2_2:
0x99: {  	[sflag:s13] =	ssyncadd.s32 $0xFFFFC000  }
0x9a: {  	_ =	sfence.sel $0x180000  }
0x9b: {  	[bflag:$0x0] =	sbarrier.arrive $0xFFFF  }
0x9c: {  	p0 =	sne.s32 s0, $0x0;
	_ =	strace $0x9000004A  }
0x9d: {  	s0 =	sadd.s32 @!p0 $0x100000, s1;
	[bflag:$0x2] =	sbarrier.arrive $0xFFFF  }
0x9e: {  	[sflag:s0] =	ssyncadd.tile.s32 @!p0 $0x1;
	_ =	shalt  }
.Lfunc_end2:
_tile_overlayer_lowered:
.L_overlay_start_2:
0x9f: {  	(tag) =	ssettag $0x2  }
0xa0: {  	s0 =	rddreg [dreg:$0x0];
	s2 =	stileid.u32  }
0xa1: {  	s1 =	rddreg [dreg:$0x1];
	p0 =	sne.s32 s2, $0x0  }
0xa2: {  	s3 =	rddreg [dreg:$0x2];
	[bflag:$0x3] =	sbarrier.arrive $0xFFFF;
	s2 =	simm.s32 @!p0 $0x1C02  }
0xa3: {  	[timem:s3], [sflag:s2] =	dma.local @!p0 [hbm:s0], s1  }
0xa4: {  	s0 =	simm.s32 @!p0 $0x2  }
0xa5: {  	_ =	swait.ge @!p0 [sflag:s0], s1  }
0xa6: {  	s1 =	ssub.s32 @!p0 $0x0, s1;
	[sflag:s0] =	ssyncset.done @!p0 $0x0  }
0xa7: {  	[sflag:s0] =	ssyncadd.s32 @!p0 s1  }
0xa8: {  	[bflag:$0x3] =	sbarrier.arrive $0xFFFF  }
0xa9: {  	_ =	shalt  }

// kernel: kernel.8.cloned.1.call-start
scs
__scs_entry_jumppad:
0x0: {  	(pc) =	sbr.rel $0x88, $3  }
0x1: {  	(tag) =	ssettag $0x0;
	lr =	simm.s32 $0x1  }
0x2: {  	[smem:$0x3F98] =	sst lr;
	_ =	strace $0xD0000000  }
0x3: {  	_ = 	snop  }
0x4: {  	_ = 	snop  }
0x5: {  	_ = 	snop  }
0x6: {  	_ = 	snop  }
0x7: {  	_ = 	snop  }
__scs_overlays_trampoline_lowered:
0x8: {  	[smem:$0x3FA7] =	sst s0  }
0x9: {  	[smem:$0x3FA8] =	sst s1  }
0xa: {  	[smem:$0x3FA9] =	sst s2  }
0xb: {  	[smem:$0x3FAA] =	sst s3  }
0xc: {  	[smem:$0x3FAB] =	sst s4  }
0xd: {  	[smem:$0x3FAC] =	sst s5  }
0xe: {  	[smem:$0x3FAD] =	sst s6  }
0xf: {  	[smem:$0x3FAE] =	sst s7  }
0x10: {  	[smem:$0x3FAF] =	sst s8  }
0x11: {  	[smem:$0x3FB0] =	sst s9;
	s0 =	simm.s32 @!p0 $0x0  }
0x12: {  	s1 =	sld [smem:$0x3F96];
	s0 =	simm.s32 @p0 $0x1  }
0x13: {  	[smem:$0x3FB1] =	sst s0;
	s0 =	simm.s32 @!p1 $0x0  }
0x14: {  	s2 =	sld [smem:$0x3F95];
	s0 =	simm.s32 @p1 $0x1  }
0x15: {  	[smem:$0x3FB2] =	sst s0;
	s0 =	simm.s32 @!p2 $0x0  }
0x16: {  	s3 =	sld [smem:$0x3FDB];
	s0 =	simm.s32 @p2 $0x1  }
0x17: {  	s4 =	simm.s32 $0x1BF5;
	[smem:$0x3FB4] =	sst s0  }
0x18: {  	s0 =	sld [smem:$0x3F97];
	_ =	swait.ge [sflag:s4], $0x0  }
0x19: {  	s7 =	sld [smem:$0x3F98]  }
0x1a: {  	s8 =	sadd.s32 $0xFFFFE003, lr  }
0x1b: {  	s9 =	sadd.s32 $0xFFFFFEF7, lr;
	s5 =	simm.s32 $0xFFFFFFFF;
	p2 =	slt.u32 s8, $0xFFFFF086  }
0x1c: {  	p1 =	slt.u32 s9, $0xF7A;
	s5 =	simm.s32 @!p2 $0x0  }
0x1d: {  	s5 =	simm.s32 @p1 $0x1;
	p0 =	seq.s32 s7, s2  }
0x1e: {  	s7 =	smul.u32 @!p0 $0xF7A, s2;
	p2 =	seq.s32 @!p0 s5, $0x0  }
0x1f: {  	s9 =	smul.u32 $0xF7A, s1;
	s8 =	simm.s32 @!p0 $0x1BF5;
	p2 =	por !p2, p0  }
0x20: {  	[sflag:s8] =	ssyncset.s32 @!p0 $0xFFFFF086;
	s6 =	sadd.s32 @!p0 s3, s7;
	s7 =	simm.s32 @!p0 $0x108  }
0x21: {  	s3 =	sadd.s32 s3, s9;
	s6 =	sadd.s32 @!p0 $0x88, s6;
	s7 =	simm.s32 @p2 $0x1082  }
0x22: {  	[simem:s7], [sflag:s8] =	dma.local @!p0 [hbm:s6], $0xF7A  }
0x23: {  	s9 =	sor.u32 $0xD0000000, s2;
	s6 =	simm.s32 $0x108;
	_ =	swait.ge @!p0 [sflag:s8], $0x0  }
0x24: {  	s3 =	sadd.s32 $0x88, s3;
	s6 =	simm.s32 @!p1 $0x1082;
	[sflag:s4] =	ssyncset.s32 $0xFFFFF086  }
0x25: {  	[simem:s6], [sflag:s4] =	dma.local [hbm:s3], $0xF7A  }
0x26: {  	[smem:$0x3F98] =	sst s1;
	(tag) =	ssettag s2;
	_ =	strace s9  }
0x27: {  	s1 =	sld [smem:$0x3FA8]  }
0x28: {  	s2 =	sld [smem:$0x3FA9]  }
0x29: {  	s4 =	sld [smem:$0x3FAB]  }
0x2a: {  	p0 =	seq.s32 s5, $0x0;
	s5 =	sld [smem:$0x3FAC]  }
0x2b: {  	s6 =	sld [smem:$0x3FAD]  }
0x2c: {  	s7 =	sld [smem:$0x3FAE]  }
0x2d: {  	s3 =	simm.s32 $0x108;
	s8 =	sld [smem:$0x3FAF]  }
0x2e: {  	s3 =	simm.s32 @!p0 $0x1082;
	s9 =	sld [smem:$0x3FB0]  }
0x2f: {  	lr =	sadd.s32 s0, s3;
	s0 =	sld [smem:$0x3FA7]  }
0x30: {  	s3 =	sld [smem:$0x3FAA]  }
0x31: {  	[smem:$0x3FB3] =	sst s10  }
0x32: {  	s10 =	sld [smem:$0x3FB1];
	_ =	sdelay $0x3  }
0x33: {  	p0 =	seq.s32 s10, $0x1;
	s10 =	sld [smem:$0x3FB3];
	_ =	sdelay $0x3  }
0x34: {  	[smem:$0x3FB3] =	sst s10  }
0x35: {  	s10 =	sld [smem:$0x3FB2];
	_ =	sdelay $0x3  }
0x36: {  	p1 =	seq.s32 s10, $0x1;
	s10 =	sld [smem:$0x3FB3];
	_ =	sdelay $0x3  }
0x37: {  	[smem:$0x3FB3] =	sst s10  }
0x38: {  	s10 =	sld [smem:$0x3FB4]  }
0x39: {  	_ = 	snop;
	(pc) =	sbr.ind lr, $3  }
0x3a: {  	_ = 	snop  }
0x3b: {  	_ = 	snop  }
0x3c: {  	p2 =	seq.s32 s10, $0x1;
	s10 =	sld [smem:$0x3FB3]  }
0x3d: {  	_ =	shalt  }
0x3e: {  	_ =	shalt  }
0x3f: {  	_ =	shalt  }
0x40: {  	_ =	shalt  }
0x41: {  	_ =	shalt  }
0x42: {  	_ =	shalt  }
0x43: {  	_ =	shalt  }
0x44: {  	_ =	shalt  }
0x45: {  	_ =	shalt  }
0x46: {  	_ =	shalt  }
0x47: {  	_ =	shalt  }
0x48: {  	_ =	shalt  }
0x49: {  	_ =	shalt  }
0x4a: {  	_ =	shalt  }
0x4b: {  	_ =	shalt  }
0x4c: {  	_ =	shalt  }
0x4d: {  	_ =	shalt  }
0x4e: {  	_ =	shalt  }
0x4f: {  	_ =	shalt  }
0x50: {  	_ =	shalt  }
0x51: {  	_ =	shalt  }
0x52: {  	_ =	shalt  }
0x53: {  	_ =	shalt  }
0x54: {  	_ =	shalt  }
0x55: {  	_ =	shalt  }
0x56: {  	_ =	shalt  }
0x57: {  	_ =	shalt  }
0x58: {  	_ =	shalt  }
0x59: {  	_ =	shalt  }
0x5a: {  	_ =	shalt  }
0x5b: {  	_ =	shalt  }
0x5c: {  	_ =	shalt  }
0x5d: {  	_ =	shalt  }
0x5e: {  	_ =	shalt  }
0x5f: {  	_ =	shalt  }
0x60: {  	_ =	shalt  }
0x61: {  	_ =	shalt  }
0x62: {  	_ =	shalt  }
0x63: {  	_ =	shalt  }
0x64: {  	_ =	shalt  }
0x65: {  	_ =	shalt  }
0x66: {  	_ =	shalt  }
0x67: {  	_ =	shalt  }
0x68: {  	_ =	shalt  }
0x69: {  	_ =	shalt  }
0x6a: {  	_ =	shalt  }
0x6b: {  	_ =	shalt  }
0x6c: {  	_ =	shalt  }
0x6d: {  	_ =	shalt  }
0x6e: {  	_ =	shalt  }
0x6f: {  	_ =	shalt  }
0x70: {  	_ =	shalt  }
0x71: {  	_ =	shalt  }
0x72: {  	_ =	shalt  }
0x73: {  	_ =	shalt  }
0x74: {  	_ =	shalt  }
0x75: {  	_ =	shalt  }
0x76: {  	_ =	shalt  }
0x77: {  	_ =	shalt  }
0x78: {  	_ =	shalt  }
0x79: {  	_ =	shalt  }
0x7a: {  	_ =	shalt  }
0x7b: {  	_ =	shalt  }
0x7c: {  	_ =	shalt  }
0x7d: {  	_ =	shalt  }
0x7e: {  	_ =	shalt  }
0x7f: {  	_ =	shalt  }
0x80: {  	_ =	shalt  }
0x81: {  	_ =	shalt  }
0x82: {  	_ =	shalt  }
0x83: {  	_ =	shalt  }
0x84: {  	_ =	shalt  }
0x85: {  	_ =	shalt  }
0x86: {  	_ =	shalt  }
0x87: {  	_ =	shalt  }
.Lfunc_end0:
.L_simem_size_0:
called_computation.2_lowered:
.L_overlay_start_0:
0x88: {  	s2 =	sld [smem:$0x3FD9]  }
0x89: {  	s3 =	sld [smem:$0x3FFE];
	_ =	sdelay $0x1  }
0x8a: {  	s1 =	srdreg.scid  }
0x8b: {  	s0 =	sand.u32 $0x1, s1  }
0x8c: {  	s17 =	sshll.u32 s0, $0xA;
	s2 =	sadd.s32 s3, s2  }
0x8d: {  	s2 =	sadd.s32 s2, s17  }
0x8e: {  	[smem:$0x3FBF] =	sst s2  }
0x8f: {  	_ = 	snop  }
0x90: {  	s2 =	sld [smem:$0x3FD0];
	(tm) =	ssettm $0x1  }
0x91: {  	s18 =	sld [smem:$0x3FFB];
	_ =	sdelay $0x3  }
0x92: {  	_ =	strace s18  }
0x93: {  	s3 =	sld [smem:$0x3FFC];
	_ =	sdelay $0x3  }
0x94: {  	_ =	strace s3  }
0x95: {  	s3 =	sld [smem:$0x3FFD];
	_ =	sdelay $0x3  }
0x96: {  	_ =	strace s3  }
0x97: {  	_ =	strace $0x8FFFFFFF  }
0x98: {  	s19 =	sld [smem:$0x3FDB];
	_ =	sdelay $0x1  }
0x99: {  	s4 =	simm.s32 $_scs_section_size  }
0x9a: {  	s5 =	simm.s32 $_size__tile_overlayer_lowered;
	s6 =	simm.s32 $_tile_overlayer_lowered  }
0x9b: {  	s22 =	simm.s32 $0x1BFF;
	s21 =	sshll.u32 s6, $0x1;
	s3 =	sadd.s32 s4, s19  }
0x9c: {  	s7 =	simm.s32 $0x0;
	s20 =	sshll.u32 s5, $0x1;
	s5 =	sadd.s32 s21, s3  }
0x9d: {  	[timem:s7], [sflag:s22] =	dma.local [hbm:s5], s20  }
0x9e: {  	_ =	swait.ge [sflag:s22], s20  }
0x9f: {  	s4 =	ssub.s32 $0x0, s20;
	[sflag:s22] =	ssyncset.done $0x0  }
0xa0: {  	[sflag:s22] =	ssyncadd.s32 s4;
	_ =	sdelay $0x1  }
0xa1: {  	s23 =	simm.s32 $0x1B8B  }
0xa2: {  	_ =	swait.ge [sflag:s23], $0x1  }
0xa3: {  	[sflag:s23] =	ssyncset.done $0x0  }
0xa4: {  	s25 =	simm.s32 $0x1B8E;
	s24 =	sld [smem:$0x3FFE];
	[sflag:s23] =	ssyncadd.s32 $0xFFFFFFFF  }
0xa5: {  	s26 =	simm.s32 $execute0_lowered;
	[smem:$0x3FD2] =	sst s25  }
0xa6: {  	s5 =	sshll.u32 s26, $0x1;
	_ =	strace $0x8000004C;
	[dreg:$0x1] =	wrdreg $0xFFFFFFFF  }
0xa7: {  	s28 =	simm.s32 $_size_execute0_lowered;
	s3 =	sadd.s32 s3, s5;
	[dreg:$0x0] =	wrdreg $0x0  }
0xa8: {  	s5 =	sshll.u32 s28, $0x1;
	[dreg:$0x2] =	wrdreg s3  }
0xa9: {  	[dreg:$0x3] =	wrdreg s5  }
0xaa: {  	[dreg:$0x4] =	wrdreg $0xC0  }
0xab: {  	_ =	task [dreg:s7], $0x5FFFF  }
0xac: {  	[dreg:$0x1] =	wrdreg $0xFFFFFFFF  }
0xad: {  	[dreg:$0x0] =	wrdreg $0x60  }
0xae: {  	[dreg:$0x2] =	wrdreg s2  }
0xaf: {  	[dreg:$0x3] =	wrdreg s24  }
0xb0: {  	[dreg:$0x4] =	wrdreg $0x9  }
0xb1: {  	_ =	task.clear_ibuf [dreg:s7], $0x5FFFF;
	_ =	strace $0x9000004C  }
0xb2: {  	s29 =	simm.s32 $0x9;
	_ =	strace $0x8000004E  }
0xb3: {  	_ =	swait.ge [sflag:s29], $0x1  }
0xb4: {  	[sflag:s29] =	ssyncadd.s32 $0xFFFFFFFF  }
0xb5: {  	_ =	strace $0x9000004E  }
0xb6: {  	_ =	sfence  }
0xb7: {  	s30 =	sld [smem:$0x0];
	_ =	sdelay $0x2  }
0xb8: {  	s31 =	sshll.u32 s1, $0xD;
	s1 =	sshrl.u32 s1, $0x2  }
0xb9: {  	s3 =	sand.u32 $0x4000, s31;
	s1 =	sadd.s32 s1, s30  }
0xba: {  	s0 =	sor.u32 s3, s0;
	s1 =	sshll.u32 s1, $0x11  }
0xbb: {  	s0 =	sor.u32 s1, s0  }
0xbc: {  	s0 =	sadd.s32 $0x8F2B, s0  }
0xbd: {  	[sflag:s0] =	ssyncadd.remote.s32 $0x1  }
0xbe: {  	_ =	sfence.sel $0xFFFF  }
0xbf: {  	[dreg:$0x0] =	wrdreg $0xFFFFFFFF;
	(pc) =	sbr.abs _section_cstart, $3  }
0xc0: {  	[dreg:$0x1] =	wrdreg $0xFFFFFFFF  }
0xc1: {  	_ =	task.clear_ibuf [dreg:s7], $0x2FFFF;
	_ =	strace $0x9FFFFFFF  }
0xc2: {  	(tm) =	ssettm $0x7FFFFFFF  }
0xc3: {  	_ =	shalt  }
tec
execute0_lowered:
.L_overlay_start_1:
0x0: {  	(tag) =	ssettag $0x1  }
0x1: {  	s1 =	srdreg.scid  }
0x2: {  	s4 =	rddreg [dreg:$0x0];
	s0 =	stileid.u32;
	s14 =	sand.u32 $0x1, s1  }
0x3: {  	s2 =	rddreg [dreg:$0x1];
	s5 =	sshll.u32 s0, $0xA;
	s6 =	sshll.u32 s14, $0x9  }
0x4: {  	s3 =	simm.s32 $0x0;
	s1 =	rddreg [dreg:$0x2];
	s15 =	sor.u32 s6, s5  }
0x5: {  	[smem:$0x7FF] =	sst s3;
	s5 =	sshrl.u32 s15, $0x3  }
0x6: {  	_ =	strace $0x8000004D;
	s5 =	sadd.s32 s4, s5;
	s4 =	simm.s32 $0x2  }
0x7: {  	[tilespmem:s3], [sflag:$0x2] =	stream.linear.gather [hbm4b:s5+s3], $0x200, $0x38;
	[tilespmem:$0x10200] =	vst v63  }
0x8: {  	_ =	swait.ge [sflag:s4], $0x200  }
0x9: {  	[sflag:s4] =	ssyncset.done $0x0  }
0xa: {  	s7 =	simm.s32 $0x200;
	s6 =	simm.s32 $0x80;
	[sflag:s4] =	ssyncadd.s32 $0xFFFFFE00  }
0xb: {  	[tilespmem:s7], [sflag:$0x1] =	stream.indirect.gather [hbm4b:s2+s6], $0x80, s3, s6, $0xb8;
	[tilespmem:$0x10200] =	vst v63  }
0xc: {  	s8 =	simm.s32 $0x4200  }
0xd: {  	[tilespmem:s8], [sflag:$0x1] =	stream.indirect.gather [hbm4b:s2+s6], $0x80, s6, s6, $0xb8;
	[tilespmem:$0x10200] =	vst v63  }
0xe: {  	s9 =	simm.s32 $0x100;
	s10 =	simm.s32 $0x8200  }
0xf: {  	[tilespmem:s10], [sflag:$0x1] =	stream.indirect.gather [hbm4b:s2+s6], $0x80, s9, s6, $0xb8;
	[tilespmem:$0x10200] =	vst v63  }
0x10: {  	s11 =	simm.s32 $0x180;
	s12 =	simm.s32 $0xC200;
	s13 =	simm.s32 $0x1  }
0x11: {  	[tilespmem:s12], [sflag:$0x1] =	stream.indirect.gather [hbm4b:s2+s6], $0x80, s11, s6, $0xb8;
	[tilespmem:$0x10200] =	vst v63  }
0x12: {  	_ =	swait.ge [sflag:s13], $0x4000  }
0x13: {  	[sflag:s13] =	ssyncset.done $0x0  }
0x14: {  	[sflag:s13] =	ssyncadd.s32 $0xFFFFC000  }
0x15: {  	_ =	swait.ge [sflag:s13], $0x4000  }
0x16: {  	[sflag:s13] =	ssyncset.done $0x0  }
0x17: {  	s14 =	ssub.s32 $0x2, s14;
	[sflag:s13] =	ssyncadd.s32 $0xFFFFC000  }
0x18: {  	s16 =	sshrl.u32 s14, $0x1;
	_ =	swait.ge [sflag:s13], $0x4000  }
0x19: {  	s16 =	ssub.s32 s14, s16;
	[sflag:s13] =	ssyncset.done $0x0  }
0x1a: {  	s31 =	smax.u32 s16, $0x1;
	[sflag:s13] =	ssyncadd.s32 $0xFFFFC000  }
0x1b: {  	s15 =	sshll.u32 s15, $0x4;
	p0 =	sne.s32 s31, $0x1;
	_ =	swait.ge [sflag:s13], $0x4000  }
.Ltmp0:
0x1c: {  	s30 =	sadd.s32 s15, s2;
	[sflag:s13] =	ssyncset.done $0x0;
	(pc) =	sbr.rel @!p0 .LBB2_2-.Ltmp0, $4  }
0x1d: {  	s14 =	sadd.s32 $0x50000, s30;
	[sflag:s13] =	ssyncadd.s32 $0xFFFFC000  }
0x1e: {  	[hbm4b:s14+s3] =	stream.linear.scatter [tilespmem:s7], [sflag:$0x2], $0x10000, $0x38;
	[tilespmem:$0x10200] =	vst v63  }
0x1f: {  	_ =	swait.ge [sflag:s4], $0x10000  }
0x20: {  	s15 =	sadd.s32 $0xFFFFFFFF, s31;
	[sflag:s4] =	ssyncset.done $0x0  }
.LBB2_1:
0x21: {  	p0 =	sne.s32 s15, $0x1;
	s15 =	sadd.s32 $0xFFFFFFFF, s15;
	[sflag:s4] =	ssyncadd.s32 $0xFFFF0000  }
0x22: {  	[tilespmem:s3], [sflag:$0x2] =	stream.linear.gather [hbm4b:s5+s3], $0x200, $0x38;
	[tilespmem:$0x10200] =	vst v63  }
0x23: {  	_ =	swait.ge [sflag:s4], $0x200  }
0x24: {  	[sflag:s4] =	ssyncset.done $0x0  }
0x25: {  	[sflag:s4] =	ssyncadd.s32 $0xFFFFFE00  }
0x26: {  	[tilespmem:s7], [sflag:$0x1] =	stream.indirect.gather [hbm4b:s2+s6], $0x80, s3, s6, $0xb8;
	[tilespmem:$0x10200] =	vst v63  }
0x27: {  	_ = 	snop  }
0x28: {  	[tilespmem:s8], [sflag:$0x1] =	stream.indirect.gather [hbm4b:s2+s6], $0x80, s6, s6, $0xb8;
	[tilespmem:$0x10200] =	vst v63  }
0x29: {  	_ = 	snop  }
0x2a: {  	[tilespmem:s10], [sflag:$0x1] =	stream.indirect.gather [hbm4b:s2+s6], $0x80, s9, s6, $0xb8;
	[tilespmem:$0x10200] =	vst v63  }
0x2b: {  	_ = 	snop  }
0x2c: {  	[tilespmem:s12], [sflag:$0x1] =	stream.indirect.gather [hbm4b:s2+s6], $0x80, s11, s6, $0xb8;
	[tilespmem:$0x10200] =	vst v63  }
0x2d: {  	_ =	swait.ge [sflag:s13], $0x4000  }
0x2e: {  	[sflag:s13] =	ssyncset.done $0x0  }
0x2f: {  	[sflag:s13] =	ssyncadd.s32 $0xFFFFC000  }
0x30: {  	_ =	swait.ge [sflag:s13], $0x4000  }
0x31: {  	[sflag:s13] =	ssyncset.done $0x0  }
0x32: {  	[sflag:s13] =	ssyncadd.s32 $0xFFFFC000  }
0x33: {  	_ =	swait.ge [sflag:s13], $0x4000  }
0x34: {  	[sflag:s13] =	ssyncset.done $0x0  }
0x35: {  	[sflag:s13] =	ssyncadd.s32 $0xFFFFC000  }
0x36: {  	_ =	swait.ge [sflag:s13], $0x4000  }
.Ltmp1:
0x37: {  	[sflag:s13] =	ssyncset.done $0x0;
	(pc) =	sbr.rel @p0 .LBB2_1-.Ltmp1, $4  }
0x38: {  	[sflag:s13] =	ssyncadd.s32 $0xFFFFC000  }
0x39: {  	[hbm4b:s14+s3] =	stream.linear.scatter [tilespmem:s7], [sflag:$0x2], $0x10000, $0x38;
	[tilespmem:$0x10200] =	vst v63  }
0x3a: {  	_ =	swait.ge [sflag:s4], $0x10000  }
0x3b: {  	[sflag:s4] =	ssyncset.done $0x0  }
.LBB2_2:
0x3c: {  	[sflag:s4] =	ssyncadd.s32 $0xFFFF0000  }
0x3d: {  	_ =	sfence.sel $0x180000  }
0x3e: {  	[bflag:$0x0] =	sbarrier.arrive $0xFFFF  }
0x3f: {  	p0 =	sne.s32 s0, $0x0;
	_ =	strace $0x9000004D  }
0x40: {  	s0 =	sadd.s32 @!p0 $0x100000, s1;
	[bflag:$0x2] =	sbarrier.arrive $0xFFFF  }
0x41: {  	[sflag:s0] =	ssyncadd.tile.s32 @!p0 $0x1;
	_ =	shalt  }
.Lfunc_end2:
_tile_overlayer_lowered:
.L_overlay_start_2:
0x42: {  	(tag) =	ssettag $0x2  }
0x43: {  	s0 =	rddreg [dreg:$0x0];
	s2 =	stileid.u32  }
0x44: {  	s1 =	rddreg [dreg:$0x1];
	p0 =	sne.s32 s2, $0x0  }
0x45: {  	s3 =	rddreg [dreg:$0x2];
	[bflag:$0x3] =	sbarrier.arrive $0xFFFF;
	s2 =	simm.s32 @!p0 $0x1C02  }
0x46: {  	[timem:s3], [sflag:s2] =	dma.local @!p0 [hbm:s0], s1  }
0x47: {  	s0 =	simm.s32 @!p0 $0x2  }
0x48: {  	_ =	swait.ge @!p0 [sflag:s0], s1  }
0x49: {  	s1 =	ssub.s32 @!p0 $0x0, s1;
	[sflag:s0] =	ssyncset.done @!p0 $0x0  }
0x4a: {  	[sflag:s0] =	ssyncadd.s32 @!p0 s1  }
0x4b: {  	[bflag:$0x3] =	sbarrier.arrive $0xFFFF  }
0x4c: {  	_ =	shalt  }

</sc_bundles>
